<compile_context>
chip_gen: v7x
topology: tpu7x:2x2x1
jax: 0.10.2.dev20260603
libtpu: 0.0.44.dev20260713+nightly
codegen_flags: <defaults>
</compile_context>

<pallas_src>
import functools

import jax
import jax.numpy as jnp
from jax import lax
from jax.experimental import pallas as pl
from jax.experimental.pallas import tpu as pltpu
from jax.experimental.pallas import tpu_sc as plsc

D = 128
E = 320000
NV = 10000
NC, NS, L = 2, 16, 16
NWRD = D // 2
WPS = NWRD // NS
E2 = E // NC
C = 4000
NCH = E2 // C

_mesh = plsc.VectorSubcoreMesh(core_axis_name="c", subcore_axis_name="s")


@functools.partial(
    pl.kernel,
    out_type=jax.ShapeDtypeStruct((NS * E,), jnp.float32),
    mesh=_mesh,
    scratch_types=[
        pltpu.VMEM((NV,), jnp.int32),
        pltpu.VMEM((NV,), jnp.int32),
        pltpu.VMEM((NV,), jnp.int32),
        pltpu.VMEM((NV,), jnp.int32),
        pltpu.VMEM((NV,), jnp.int32),
        pltpu.VMEM((NV,), jnp.int32),
        pltpu.VMEM((NV,), jnp.int32),
        pltpu.VMEM((NV,), jnp.int32),
        pltpu.VMEM((C,), jnp.int32),
        pltpu.VMEM((C,), jnp.int32),
        pltpu.VMEM((C,), jnp.int32),
        pltpu.VMEM((C,), jnp.int32),
        pltpu.VMEM((C,), jnp.float32),
        pltpu.VMEM((C,), jnp.float32),
        pltpu.SemaphoreType.DMA,
        pltpu.SemaphoreType.DMA,
        pltpu.SemaphoreType.DMA,
        pltpu.SemaphoreType.DMA,
    ],
    compiler_params=pltpu.CompilerParams(needs_layout_passes=False),
)
def _partial_dots(xu_hbm, xi_hbm, src_hbm, dst_hbm, part_hbm,
                  uw0, uw1, uw2, uw3, vw0, vw1, vw2, vw3,
                  sv0, sv1, dv0, dv1, ov0, ov1,
                  qi0, qi1, qo0, qo1):
    cid = lax.axis_index("c")
    sid = lax.axis_index("s")
    ebase = cid * E2

    u_w = (uw0, uw1, uw2, uw3)
    v_w = (vw0, vw1, vw2, vw3)
    for k in range(WPS):
        pltpu.sync_copy(xu_hbm.at[sid * WPS + k], u_w[k])
        pltpu.sync_copy(xi_hbm.at[sid * WPS + k], v_w[k])

    svs, dvs, ovs = (sv0, sv1), (dv0, dv1), (ov0, ov1)
    qis, qos = (qi0, qi1), (qo0, qo1)

    def fire_idx(ci, b):
        off = pl.multiple_of(ebase + ci * C, 8)
        pltpu.async_copy(src_hbm.at[pl.ds(off, C)], svs[b], qis[b])
        pltpu.async_copy(dst_hbm.at[pl.ds(off, C)], dvs[b], qis[b])

    def drain_idx(b):
        pltpu.make_async_copy(src_hbm.at[pl.ds(0, C)], svs[b], qis[b]).wait()
        pltpu.make_async_copy(dst_hbm.at[pl.ds(0, C)], dvs[b], qis[b]).wait()

    def fire_out(ci, b):
        off = pl.multiple_of(sid * E + ebase + ci * C, 8)
        pltpu.async_copy(ovs[b], part_hbm.at[pl.ds(off, C)], qos[b])

    def drain_out(b):
        pltpu.make_async_copy(
            ovs[b], part_hbm.at[pl.ds(0, C)], qos[b]).wait()

    def compute(ci, b):
        drain_idx(b)

        @plsc.parallel_loop(0, C // L, unroll=8)
        def _grp(g):
            off16 = g * L
            s16 = svs[b][pl.ds(off16, L)]
            d16 = dvs[b][pl.ds(off16, L)]
            acc_e = jnp.zeros((L,), jnp.float32)
            acc_o = jnp.zeros((L,), jnp.float32)
            for k in range(WPS):
                uw = plsc.load_gather(u_w[k], [s16])
                vw = plsc.load_gather(v_w[k], [d16])
                ub = plsc.bitcast(uw, jnp.bfloat16)
                vb = plsc.bitcast(vw, jnp.bfloat16)
                pe, po = plsc.unpack(
                    ub * vb, format=plsc.PackFormat.INTERLEAVED)
                acc_e = acc_e + pe
                acc_o = acc_o + po
            ovs[b][pl.ds(off16, L)] = acc_e + acc_o

    fire_idx(0, 0)

    def step(k, carry):
        i0 = 2 * k
        i1 = i0 + 1
        fire_idx(i1, 1)

        @pl.when(k > 0)
        def _():
            drain_out(0)

        compute(i0, 0)
        fire_out(i0, 0)

        @pl.when(k < NCH // 2 - 1)
        def _():
            fire_idx(i1 + 1, 0)

        @pl.when(k > 0)
        def _():
            drain_out(1)

        compute(i1, 1)
        fire_out(i1, 1)
        return carry

    lax.fori_loop(0, NCH // 2, step, 0)
    drain_out(0)
    drain_out(1)


BK = 32000
NB = E // BK


def _rowsum_body(p_ref, o_ref):
    o_ref[0, 0, :] = jnp.sum(p_ref[...], axis=0)


_rowsum = pl.pallas_call(
    _rowsum_body,
    out_shape=jax.ShapeDtypeStruct((NB, 1, BK), jnp.float32),
    grid=(NB,),
    in_specs=[pl.BlockSpec((NS, BK), lambda i: (0, i))],
    out_specs=pl.BlockSpec((1, 1, BK), lambda i: (i, 0, 0)),
)


def _packT_body(xu_ref, xi_ref, wu_ref, wi_ref):
    for r, w in ((xu_ref, wu_ref), (xi_ref, wi_ref)):
        u = jax.lax.bitcast_convert_type(r[...], jnp.uint32)
        b = (u + 0x7FFF + ((u >> 16) & 1)) >> 16
        word = b[:, :NWRD] | (b[:, NWRD:] << 16)
        w[...] = word.astype(jnp.int32).T


_packT = pl.pallas_call(
    _packT_body,
    out_shape=(jax.ShapeDtypeStruct((NWRD, NV), jnp.int32),
               jax.ShapeDtypeStruct((NWRD, NV), jnp.int32)),
)


def kernel(x_user, x_item, edge_label_index):
    eli = edge_label_index.astype(jnp.int32)
    wu, wi = _packT(x_user, x_item)
    part = _partial_dots(wu, wi, eli[0], eli[1])
    return _rowsum(part.reshape(NS, E)).reshape(E)

# --- scband reference (transcript-rebuilt; emitter-appended) ---
"""Pipeline reference for scband-inner-product-decoder-60120952209846 (READ-ONLY COPY).

The authoritative reference and input builder live on the scoring server;
editing this copy changes nothing except your own understanding.
"""

import jax, jax.numpy as jnp
import numpy as np

N_USERS = 10000
N_ITEMS = 10000
D = 128
E = 320000

def setup_inputs(seed: int = 0) -> dict:
    key = jax.random.key(seed)
    k1, k2, k3 = jax.random.split(key, 3)
    x_user = jax.random.normal(k1, (N_USERS, D), dtype=jnp.float32)
    x_item = jax.random.normal(k2, (N_ITEMS, D), dtype=jnp.float32)
    edge_label_index = jax.random.randint(k3, (2, E), 0, N_USERS)
    return {"x_user": x_user, "x_item": x_item, "edge_label_index": edge_label_index}

def reference(x_user, x_item, edge_label_index):
    # x_dict = {'user': x_user, 'item': x_item}
    x_src = jnp.take(x_user, edge_label_index[0], axis=0)
    x_dst = jnp.take(x_item, edge_label_index[1], axis=0)
    return (x_src * x_dst).sum(axis=-1)

if __name__ == "__main__":
    import jax
    _d = setup_inputs()
    print(jax.jit(kernel)(*tuple(_d.values())))

</pallas_src>

<mosaic_0001>
#map = affine_map<(d0, d1) -> (0, 0)>
#map1 = affine_map<(d0, d1) -> (0)>
module attributes {stable_mosaic.version = 14 : i64} {
  func.func @_partial_dots(%arg0: i32, %arg1: i32, %arg2: memref<64x10000xi32, #tpu.memory_space<hbm>>, %arg3: memref<64x10000xi32, #tpu.memory_space<hbm>>, %arg4: memref<320000xi32, #tpu.memory_space<hbm>>, %arg5: memref<320000xi32, #tpu.memory_space<hbm>>, %arg6: memref<5120000xf32, #tpu.memory_space<hbm>>, %arg7: memref<10000xi32, #tpu.memory_space<vmem>>, %arg8: memref<10000xi32, #tpu.memory_space<vmem>>, %arg9: memref<10000xi32, #tpu.memory_space<vmem>>, %arg10: memref<10000xi32, #tpu.memory_space<vmem>>, %arg11: memref<10000xi32, #tpu.memory_space<vmem>>, %arg12: memref<10000xi32, #tpu.memory_space<vmem>>, %arg13: memref<10000xi32, #tpu.memory_space<vmem>>, %arg14: memref<10000xi32, #tpu.memory_space<vmem>>, %arg15: memref<4000xi32, #tpu.memory_space<vmem>>, %arg16: memref<4000xi32, #tpu.memory_space<vmem>>, %arg17: memref<4000xi32, #tpu.memory_space<vmem>>, %arg18: memref<4000xi32, #tpu.memory_space<vmem>>, %arg19: memref<4000xf32, #tpu.memory_space<vmem>>, %arg20: memref<4000xf32, #tpu.memory_space<vmem>>, %arg21: memref<!tpu.dma_semaphore, #tpu.memory_space<semaphore_mem>>, %arg22: memref<!tpu.dma_semaphore, #tpu.memory_space<semaphore_mem>>, %arg23: memref<!tpu.dma_semaphore, #tpu.memory_space<semaphore_mem>>, %arg24: memref<!tpu.dma_semaphore, #tpu.memory_space<semaphore_mem>>) attributes {dimension_semantics = [#tpu.dimension_semantics<core_parallel>, #tpu.dimension_semantics<subcore_parallel>], iteration_bounds = array<i64: 2, 16>, scalar_prefetch = 0 : i64, scratch_operands = 18 : i64, tpu.core_type = #tpu.core_type<sc_vector_subcore>, window_params = [{transform_indices = #map}, {transform_indices = #map}, {transform_indices = #map1}, {transform_indices = #map1}, {transform_indices = #map1}]} {
    %mul3A = arith.constant 160000 : i32
    %mul3A_0 = arith.muli %arg0, %mul3A : i32
    %mul3A_1 = arith.constant 4 : i32
    %mul3A_2 = arith.muli %arg1, %mul3A_1 : i32
    %add3A = arith.constant 0 : i32
    %add3A_3 = arith.addi %mul3A_2, %add3A : i32
    "tpu.region"() ({
      %run_scoped3A = tpu.sem_alloc : memref<!tpu.dma_semaphore, #tpu.memory_space<semaphore_mem>>
      %dma_start3A_49 = arith.constant 0 : i32
      %dma_start3A_50 = tpu.memref_slice %arg2[%add3A_3, %dma_start3A_49] : memref<64x10000xi32, #tpu.memory_space<hbm>> -> memref<1x10000xi32, #tpu.memory_space<hbm>>
      %dma_start3A_51 = tpu.memref_squeeze %dma_start3A_50 : memref<1x10000xi32, #tpu.memory_space<hbm>> -> memref<10000xi32, #tpu.memory_space<hbm>>
      %dma_start3A_52 = arith.constant 0 : i32
      %dma_start3A_53 = tpu.memref_slice %arg2[%add3A_3, %dma_start3A_52] : memref<64x10000xi32, #tpu.memory_space<hbm>> -> memref<1x10000xi32, #tpu.memory_space<hbm>>
      %dma_start3A_54 = tpu.memref_squeeze %dma_start3A_53 : memref<1x10000xi32, #tpu.memory_space<hbm>> -> memref<10000xi32, #tpu.memory_space<hbm>>
      tpu.enqueue_dma source(%dma_start3A_54 : memref<10000xi32, #tpu.memory_space<hbm>>) target(%arg7 : memref<10000xi32, #tpu.memory_space<vmem>>) target_semaphore(%run_scoped3A : memref<!tpu.dma_semaphore, #tpu.memory_space<semaphore_mem>>)
      %dma_wait3A_55 = arith.constant 0 : i32
      %dma_wait3A_56 = tpu.memref_slice %arg2[%add3A_3, %dma_wait3A_55] : memref<64x10000xi32, #tpu.memory_space<hbm>> -> memref<1x10000xi32, #tpu.memory_space<hbm>>
      %dma_wait3A_57 = tpu.memref_squeeze %dma_wait3A_56 : memref<1x10000xi32, #tpu.memory_space<hbm>> -> memref<10000xi32, #tpu.memory_space<hbm>>
      %dma_wait3A_58 = arith.constant 0 : i32
      %dma_wait3A_59 = tpu.memref_slice %arg2[%add3A_3, %dma_wait3A_58] : memref<64x10000xi32, #tpu.memory_space<hbm>> -> memref<1x10000xi32, #tpu.memory_space<hbm>>
      %dma_wait3A_60 = tpu.memref_squeeze %dma_wait3A_59 : memref<1x10000xi32, #tpu.memory_space<hbm>> -> memref<10000xi32, #tpu.memory_space<hbm>>
      tpu.wait_dma2 semaphore(%run_scoped3A : memref<!tpu.dma_semaphore, #tpu.memory_space<semaphore_mem>>) src(%dma_wait3A_60 : memref<10000xi32, #tpu.memory_space<hbm>>) dst(%arg7 : memref<10000xi32, #tpu.memory_space<vmem>>)
      tpu.yield
    }) : () -> ()
    %mul3A_4 = arith.constant 4 : i32
    %mul3A_5 = arith.muli %arg1, %mul3A_4 : i32
    %add3A_6 = arith.constant 0 : i32
    %add3A_7 = arith.addi %mul3A_5, %add3A_6 : i32
    "tpu.region"() ({
      %run_scoped3A = tpu.sem_alloc : memref<!tpu.dma_semaphore, #tpu.memory_space<semaphore_mem>>
      %dma_start3A_49 = arith.constant 0 : i32
      %dma_start3A_50 = tpu.memref_slice %arg3[%add3A_7, %dma_start3A_49] : memref<64x10000xi32, #tpu.memory_space<hbm>> -> memref<1x10000xi32, #tpu.memory_space<hbm>>
      %dma_start3A_51 = tpu.memref_squeeze %dma_start3A_50 : memref<1x10000xi32, #tpu.memory_space<hbm>> -> memref<10000xi32, #tpu.memory_space<hbm>>
      %dma_start3A_52 = arith.constant 0 : i32
      %dma_start3A_53 = tpu.memref_slice %arg3[%add3A_7, %dma_start3A_52] : memref<64x10000xi32, #tpu.memory_space<hbm>> -> memref<1x10000xi32, #tpu.memory_space<hbm>>
      %dma_start3A_54 = tpu.memref_squeeze %dma_start3A_53 : memref<1x10000xi32, #tpu.memory_space<hbm>> -> memref<10000xi32, #tpu.memory_space<hbm>>
      tpu.enqueue_dma source(%dma_start3A_54 : memref<10000xi32, #tpu.memory_space<hbm>>) target(%arg11 : memref<10000xi32, #tpu.memory_space<vmem>>) target_semaphore(%run_scoped3A : memref<!tpu.dma_semaphore, #tpu.memory_space<semaphore_mem>>)
      %dma_wait3A_55 = arith.constant 0 : i32
      %dma_wait3A_56 = tpu.memref_slice %arg3[%add3A_7, %dma_wait3A_55] : memref<64x10000xi32, #tpu.memory_space<hbm>> -> memref<1x10000xi32, #tpu.memory_space<hbm>>
      %dma_wait3A_57 = tpu.memref_squeeze %dma_wait3A_56 : memref<1x10000xi32, #tpu.memory_space<hbm>> -> memref<10000xi32, #tpu.memory_space<hbm>>
      %dma_wait3A_58 = arith.constant 0 : i32
      %dma_wait3A_59 = tpu.memref_slice %arg3[%add3A_7, %dma_wait3A_58] : memref<64x10000xi32, #tpu.memory_space<hbm>> -> memref<1x10000xi32, #tpu.memory_space<hbm>>
      %dma_wait3A_60 = tpu.memref_squeeze %dma_wait3A_59 : memref<1x10000xi32, #tpu.memory_space<hbm>> -> memref<10000xi32, #tpu.memory_space<hbm>>
      tpu.wait_dma2 semaphore(%run_scoped3A : memref<!tpu.dma_semaphore, #tpu.memory_space<semaphore_mem>>) src(%dma_wait3A_60 : memref<10000xi32, #tpu.memory_space<hbm>>) dst(%arg11 : memref<10000xi32, #tpu.memory_space<vmem>>)
      tpu.yield
    }) : () -> ()
    %mul3A_8 = arith.constant 4 : i32
    %mul3A_9 = arith.muli %arg1, %mul3A_8 : i32
    %add3A_10 = arith.constant 1 : i32
    %add3A_11 = arith.addi %mul3A_9, %add3A_10 : i32
    "tpu.region"() ({
      %run_scoped3A = tpu.sem_alloc : memref<!tpu.dma_semaphore, #tpu.memory_space<semaphore_mem>>
      %dma_start3A_49 = arith.constant 0 : i32
      %dma_start3A_50 = tpu.memref_slice %arg2[%add3A_11, %dma_start3A_49] : memref<64x10000xi32, #tpu.memory_space<hbm>> -> memref<1x10000xi32, #tpu.memory_space<hbm>>
      %dma_start3A_51 = tpu.memref_squeeze %dma_start3A_50 : memref<1x10000xi32, #tpu.memory_space<hbm>> -> memref<10000xi32, #tpu.memory_space<hbm>>
      %dma_start3A_52 = arith.constant 0 : i32
      %dma_start3A_53 = tpu.memref_slice %arg2[%add3A_11, %dma_start3A_52] : memref<64x10000xi32, #tpu.memory_space<hbm>> -> memref<1x10000xi32, #tpu.memory_space<hbm>>
      %dma_start3A_54 = tpu.memref_squeeze %dma_start3A_53 : memref<1x10000xi32, #tpu.memory_space<hbm>> -> memref<10000xi32, #tpu.memory_space<hbm>>
      tpu.enqueue_dma source(%dma_start3A_54 : memref<10000xi32, #tpu.memory_space<hbm>>) target(%arg8 : memref<10000xi32, #tpu.memory_space<vmem>>) target_semaphore(%run_scoped3A : memref<!tpu.dma_semaphore, #tpu.memory_space<semaphore_mem>>)
      %dma_wait3A_55 = arith.constant 0 : i32
      %dma_wait3A_56 = tpu.memref_slice %arg2[%add3A_11, %dma_wait3A_55] : memref<64x10000xi32, #tpu.memory_space<hbm>> -> memref<1x10000xi32, #tpu.memory_space<hbm>>
      %dma_wait3A_57 = tpu.memref_squeeze %dma_wait3A_56 : memref<1x10000xi32, #tpu.memory_space<hbm>> -> memref<10000xi32, #tpu.memory_space<hbm>>
      %dma_wait3A_58 = arith.constant 0 : i32
      %dma_wait3A_59 = tpu.memref_slice %arg2[%add3A_11, %dma_wait3A_58] : memref<64x10000xi32, #tpu.memory_space<hbm>> -> memref<1x10000xi32, #tpu.memory_space<hbm>>
      %dma_wait3A_60 = tpu.memref_squeeze %dma_wait3A_59 : memref<1x10000xi32, #tpu.memory_space<hbm>> -> memref<10000xi32, #tpu.memory_space<hbm>>
      tpu.wait_dma2 semaphore(%run_scoped3A : memref<!tpu.dma_semaphore, #tpu.memory_space<semaphore_mem>>) src(%dma_wait3A_60 : memref<10000xi32, #tpu.memory_space<hbm>>) dst(%arg8 : memref<10000xi32, #tpu.memory_space<vmem>>)
      tpu.yield
    }) : () -> ()
    %mul3A_12 = arith.constant 4 : i32
    %mul3A_13 = arith.muli %arg1, %mul3A_12 : i32
    %add3A_14 = arith.constant 1 : i32
    %add3A_15 = arith.addi %mul3A_13, %add3A_14 : i32
    "tpu.region"() ({
      %run_scoped3A = tpu.sem_alloc : memref<!tpu.dma_semaphore, #tpu.memory_space<semaphore_mem>>
      %dma_start3A_49 = arith.constant 0 : i32
      %dma_start3A_50 = tpu.memref_slice %arg3[%add3A_15, %dma_start3A_49] : memref<64x10000xi32, #tpu.memory_space<hbm>> -> memref<1x10000xi32, #tpu.memory_space<hbm>>
      %dma_start3A_51 = tpu.memref_squeeze %dma_start3A_50 : memref<1x10000xi32, #tpu.memory_space<hbm>> -> memref<10000xi32, #tpu.memory_space<hbm>>
      %dma_start3A_52 = arith.constant 0 : i32
      %dma_start3A_53 = tpu.memref_slice %arg3[%add3A_15, %dma_start3A_52] : memref<64x10000xi32, #tpu.memory_space<hbm>> -> memref<1x10000xi32, #tpu.memory_space<hbm>>
      %dma_start3A_54 = tpu.memref_squeeze %dma_start3A_53 : memref<1x10000xi32, #tpu.memory_space<hbm>> -> memref<10000xi32, #tpu.memory_space<hbm>>
      tpu.enqueue_dma source(%dma_start3A_54 : memref<10000xi32, #tpu.memory_space<hbm>>) target(%arg12 : memref<10000xi32, #tpu.memory_space<vmem>>) target_semaphore(%run_scoped3A : memref<!tpu.dma_semaphore, #tpu.memory_space<semaphore_mem>>)
      %dma_wait3A_55 = arith.constant 0 : i32
      %dma_wait3A_56 = tpu.memref_slice %arg3[%add3A_15, %dma_wait3A_55] : memref<64x10000xi32, #tpu.memory_space<hbm>> -> memref<1x10000xi32, #tpu.memory_space<hbm>>
      %dma_wait3A_57 = tpu.memref_squeeze %dma_wait3A_56 : memref<1x10000xi32, #tpu.memory_space<hbm>> -> memref<10000xi32, #tpu.memory_space<hbm>>
      %dma_wait3A_58 = arith.constant 0 : i32
      %dma_wait3A_59 = tpu.memref_slice %arg3[%add3A_15, %dma_wait3A_58] : memref<64x10000xi32, #tpu.memory_space<hbm>> -> memref<1x10000xi32, #tpu.memory_space<hbm>>
      %dma_wait3A_60 = tpu.memref_squeeze %dma_wait3A_59 : memref<1x10000xi32, #tpu.memory_space<hbm>> -> memref<10000xi32, #tpu.memory_space<hbm>>
      tpu.wait_dma2 semaphore(%run_scoped3A : memref<!tpu.dma_semaphore, #tpu.memory_space<semaphore_mem>>) src(%dma_wait3A_60 : memref<10000xi32, #tpu.memory_space<hbm>>) dst(%arg12 : memref<10000xi32, #tpu.memory_space<vmem>>)
      tpu.yield
    }) : () -> ()
    %mul3A_16 = arith.constant 4 : i32
    %mul3A_17 = arith.muli %arg1, %mul3A_16 : i32
    %add3A_18 = arith.constant 2 : i32
    %add3A_19 = arith.addi %mul3A_17, %add3A_18 : i32
    "tpu.region"() ({
      %run_scoped3A = tpu.sem_alloc : memref<!tpu.dma_semaphore, #tpu.memory_space<semaphore_mem>>
      %dma_start3A_49 = arith.constant 0 : i32
      %dma_start3A_50 = tpu.memref_slice %arg2[%add3A_19, %dma_start3A_49] : memref<64x10000xi32, #tpu.memory_space<hbm>> -> memref<1x10000xi32, #tpu.memory_space<hbm>>
      %dma_start3A_51 = tpu.memref_squeeze %dma_start3A_50 : memref<1x10000xi32, #tpu.memory_space<hbm>> -> memref<10000xi32, #tpu.memory_space<hbm>>
      %dma_start3A_52 = arith.constant 0 : i32
      %dma_start3A_53 = tpu.memref_slice %arg2[%add3A_19, %dma_start3A_52] : memref<64x10000xi32, #tpu.memory_space<hbm>> -> memref<1x10000xi32, #tpu.memory_space<hbm>>
      %dma_start3A_54 = tpu.memref_squeeze %dma_start3A_53 : memref<1x10000xi32, #tpu.memory_space<hbm>> -> memref<10000xi32, #tpu.memory_space<hbm>>
      tpu.enqueue_dma source(%dma_start3A_54 : memref<10000xi32, #tpu.memory_space<hbm>>) target(%arg9 : memref<10000xi32, #tpu.memory_space<vmem>>) target_semaphore(%run_scoped3A : memref<!tpu.dma_semaphore, #tpu.memory_space<semaphore_mem>>)
      %dma_wait3A_55 = arith.constant 0 : i32
      %dma_wait3A_56 = tpu.memref_slice %arg2[%add3A_19, %dma_wait3A_55] : memref<64x10000xi32, #tpu.memory_space<hbm>> -> memref<1x10000xi32, #tpu.memory_space<hbm>>
      %dma_wait3A_57 = tpu.memref_squeeze %dma_wait3A_56 : memref<1x10000xi32, #tpu.memory_space<hbm>> -> memref<10000xi32, #tpu.memory_space<hbm>>
      %dma_wait3A_58 = arith.constant 0 : i32
      %dma_wait3A_59 = tpu.memref_slice %arg2[%add3A_19, %dma_wait3A_58] : memref<64x10000xi32, #tpu.memory_space<hbm>> -> memref<1x10000xi32, #tpu.memory_space<hbm>>
      %dma_wait3A_60 = tpu.memref_squeeze %dma_wait3A_59 : memref<1x10000xi32, #tpu.memory_space<hbm>> -> memref<10000xi32, #tpu.memory_space<hbm>>
      tpu.wait_dma2 semaphore(%run_scoped3A : memref<!tpu.dma_semaphore, #tpu.memory_space<semaphore_mem>>) src(%dma_wait3A_60 : memref<10000xi32, #tpu.memory_space<hbm>>) dst(%arg9 : memref<10000xi32, #tpu.memory_space<vmem>>)
      tpu.yield
    }) : () -> ()
    %mul3A_20 = arith.constant 4 : i32
    %mul3A_21 = arith.muli %arg1, %mul3A_20 : i32
    %add3A_22 = arith.constant 2 : i32
    %add3A_23 = arith.addi %mul3A_21, %add3A_22 : i32
    "tpu.region"() ({
      %run_scoped3A = tpu.sem_alloc : memref<!tpu.dma_semaphore, #tpu.memory_space<semaphore_mem>>
      %dma_start3A_49 = arith.constant 0 : i32
      %dma_start3A_50 = tpu.memref_slice %arg3[%add3A_23, %dma_start3A_49] : memref<64x10000xi32, #tpu.memory_space<hbm>> -> memref<1x10000xi32, #tpu.memory_space<hbm>>
      %dma_start3A_51 = tpu.memref_squeeze %dma_start3A_50 : memref<1x10000xi32, #tpu.memory_space<hbm>> -> memref<10000xi32, #tpu.memory_space<hbm>>
      %dma_start3A_52 = arith.constant 0 : i32
      %dma_start3A_53 = tpu.memref_slice %arg3[%add3A_23, %dma_start3A_52] : memref<64x10000xi32, #tpu.memory_space<hbm>> -> memref<1x10000xi32, #tpu.memory_space<hbm>>
      %dma_start3A_54 = tpu.memref_squeeze %dma_start3A_53 : memref<1x10000xi32, #tpu.memory_space<hbm>> -> memref<10000xi32, #tpu.memory_space<hbm>>
      tpu.enqueue_dma source(%dma_start3A_54 : memref<10000xi32, #tpu.memory_space<hbm>>) target(%arg13 : memref<10000xi32, #tpu.memory_space<vmem>>) target_semaphore(%run_scoped3A : memref<!tpu.dma_semaphore, #tpu.memory_space<semaphore_mem>>)
      %dma_wait3A_55 = arith.constant 0 : i32
      %dma_wait3A_56 = tpu.memref_slice %arg3[%add3A_23, %dma_wait3A_55] : memref<64x10000xi32, #tpu.memory_space<hbm>> -> memref<1x10000xi32, #tpu.memory_space<hbm>>
      %dma_wait3A_57 = tpu.memref_squeeze %dma_wait3A_56 : memref<1x10000xi32, #tpu.memory_space<hbm>> -> memref<10000xi32, #tpu.memory_space<hbm>>
      %dma_wait3A_58 = arith.constant 0 : i32
      %dma_wait3A_59 = tpu.memref_slice %arg3[%add3A_23, %dma_wait3A_58] : memref<64x10000xi32, #tpu.memory_space<hbm>> -> memref<1x10000xi32, #tpu.memory_space<hbm>>
      %dma_wait3A_60 = tpu.memref_squeeze %dma_wait3A_59 : memref<1x10000xi32, #tpu.memory_space<hbm>> -> memref<10000xi32, #tpu.memory_space<hbm>>
      tpu.wait_dma2 semaphore(%run_scoped3A : memref<!tpu.dma_semaphore, #tpu.memory_space<semaphore_mem>>) src(%dma_wait3A_60 : memref<10000xi32, #tpu.memory_space<hbm>>) dst(%arg13 : memref<10000xi32, #tpu.memory_space<vmem>>)
      tpu.yield
    }) : () -> ()
    %mul3A_24 = arith.constant 4 : i32
    %mul3A_25 = arith.muli %arg1, %mul3A_24 : i32
    %add3A_26 = arith.constant 3 : i32
    %add3A_27 = arith.addi %mul3A_25, %add3A_26 : i32
    "tpu.region"() ({
      %run_scoped3A = tpu.sem_alloc : memref<!tpu.dma_semaphore, #tpu.memory_space<semaphore_mem>>
      %dma_start3A_49 = arith.constant 0 : i32
      %dma_start3A_50 = tpu.memref_slice %arg2[%add3A_27, %dma_start3A_49] : memref<64x10000xi32, #tpu.memory_space<hbm>> -> memref<1x10000xi32, #tpu.memory_space<hbm>>
      %dma_start3A_51 = tpu.memref_squeeze %dma_start3A_50 : memref<1x10000xi32, #tpu.memory_space<hbm>> -> memref<10000xi32, #tpu.memory_space<hbm>>
      %dma_start3A_52 = arith.constant 0 : i32
      %dma_start3A_53 = tpu.memref_slice %arg2[%add3A_27, %dma_start3A_52] : memref<64x10000xi32, #tpu.memory_space<hbm>> -> memref<1x10000xi32, #tpu.memory_space<hbm>>
      %dma_start3A_54 = tpu.memref_squeeze %dma_start3A_53 : memref<1x10000xi32, #tpu.memory_space<hbm>> -> memref<10000xi32, #tpu.memory_space<hbm>>
      tpu.enqueue_dma source(%dma_start3A_54 : memref<10000xi32, #tpu.memory_space<hbm>>) target(%arg10 : memref<10000xi32, #tpu.memory_space<vmem>>) target_semaphore(%run_scoped3A : memref<!tpu.dma_semaphore, #tpu.memory_space<semaphore_mem>>)
      %dma_wait3A_55 = arith.constant 0 : i32
      %dma_wait3A_56 = tpu.memref_slice %arg2[%add3A_27, %dma_wait3A_55] : memref<64x10000xi32, #tpu.memory_space<hbm>> -> memref<1x10000xi32, #tpu.memory_space<hbm>>
      %dma_wait3A_57 = tpu.memref_squeeze %dma_wait3A_56 : memref<1x10000xi32, #tpu.memory_space<hbm>> -> memref<10000xi32, #tpu.memory_space<hbm>>
      %dma_wait3A_58 = arith.constant 0 : i32
      %dma_wait3A_59 = tpu.memref_slice %arg2[%add3A_27, %dma_wait3A_58] : memref<64x10000xi32, #tpu.memory_space<hbm>> -> memref<1x10000xi32, #tpu.memory_space<hbm>>
      %dma_wait3A_60 = tpu.memref_squeeze %dma_wait3A_59 : memref<1x10000xi32, #tpu.memory_space<hbm>> -> memref<10000xi32, #tpu.memory_space<hbm>>
      tpu.wait_dma2 semaphore(%run_scoped3A : memref<!tpu.dma_semaphore, #tpu.memory_space<semaphore_mem>>) src(%dma_wait3A_60 : memref<10000xi32, #tpu.memory_space<hbm>>) dst(%arg10 : memref<10000xi32, #tpu.memory_space<vmem>>)
      tpu.yield
    }) : () -> ()
    %mul3A_28 = arith.constant 4 : i32
    %mul3A_29 = arith.muli %arg1, %mul3A_28 : i32
    %add3A_30 = arith.constant 3 : i32
    %add3A_31 = arith.addi %mul3A_29, %add3A_30 : i32
    "tpu.region"() ({
      %run_scoped3A = tpu.sem_alloc : memref<!tpu.dma_semaphore, #tpu.memory_space<semaphore_mem>>
      %dma_start3A_49 = arith.constant 0 : i32
      %dma_start3A_50 = tpu.memref_slice %arg3[%add3A_31, %dma_start3A_49] : memref<64x10000xi32, #tpu.memory_space<hbm>> -> memref<1x10000xi32, #tpu.memory_space<hbm>>
      %dma_start3A_51 = tpu.memref_squeeze %dma_start3A_50 : memref<1x10000xi32, #tpu.memory_space<hbm>> -> memref<10000xi32, #tpu.memory_space<hbm>>
      %dma_start3A_52 = arith.constant 0 : i32
      %dma_start3A_53 = tpu.memref_slice %arg3[%add3A_31, %dma_start3A_52] : memref<64x10000xi32, #tpu.memory_space<hbm>> -> memref<1x10000xi32, #tpu.memory_space<hbm>>
      %dma_start3A_54 = tpu.memref_squeeze %dma_start3A_53 : memref<1x10000xi32, #tpu.memory_space<hbm>> -> memref<10000xi32, #tpu.memory_space<hbm>>
      tpu.enqueue_dma source(%dma_start3A_54 : memref<10000xi32, #tpu.memory_space<hbm>>) target(%arg14 : memref<10000xi32, #tpu.memory_space<vmem>>) target_semaphore(%run_scoped3A : memref<!tpu.dma_semaphore, #tpu.memory_space<semaphore_mem>>)
      %dma_wait3A_55 = arith.constant 0 : i32
      %dma_wait3A_56 = tpu.memref_slice %arg3[%add3A_31, %dma_wait3A_55] : memref<64x10000xi32, #tpu.memory_space<hbm>> -> memref<1x10000xi32, #tpu.memory_space<hbm>>
      %dma_wait3A_57 = tpu.memref_squeeze %dma_wait3A_56 : memref<1x10000xi32, #tpu.memory_space<hbm>> -> memref<10000xi32, #tpu.memory_space<hbm>>
      %dma_wait3A_58 = arith.constant 0 : i32
      %dma_wait3A_59 = tpu.memref_slice %arg3[%add3A_31, %dma_wait3A_58] : memref<64x10000xi32, #tpu.memory_space<hbm>> -> memref<1x10000xi32, #tpu.memory_space<hbm>>
      %dma_wait3A_60 = tpu.memref_squeeze %dma_wait3A_59 : memref<1x10000xi32, #tpu.memory_space<hbm>> -> memref<10000xi32, #tpu.memory_space<hbm>>
      tpu.wait_dma2 semaphore(%run_scoped3A : memref<!tpu.dma_semaphore, #tpu.memory_space<semaphore_mem>>) src(%dma_wait3A_60 : memref<10000xi32, #tpu.memory_space<hbm>>) dst(%arg14 : memref<10000xi32, #tpu.memory_space<vmem>>)
      tpu.yield
    }) : () -> ()
    %add3A_32 = arith.constant 0 : i32
    %add3A_33 = arith.addi %mul3A_0, %add3A_32 : i32
    %multiple_of3A = tpu.assume_multiple %add3A_33, 8 : i32
    %dma_start3A = tpu.memref_slice %arg4[%multiple_of3A] : memref<320000xi32, #tpu.memory_space<hbm>> -> memref<4000xi32, #tpu.memory_space<hbm>>
    %dma_start3A_34 = tpu.memref_slice %arg4[%multiple_of3A] : memref<320000xi32, #tpu.memory_space<hbm>> -> memref<4000xi32, #tpu.memory_space<hbm>>
    tpu.enqueue_dma source(%dma_start3A_34 : memref<4000xi32, #tpu.memory_space<hbm>>) target(%arg15 : memref<4000xi32, #tpu.memory_space<vmem>>) target_semaphore(%arg21 : memref<!tpu.dma_semaphore, #tpu.memory_space<semaphore_mem>>)
    %dma_start3A_35 = tpu.memref_slice %arg5[%multiple_of3A] : memref<320000xi32, #tpu.memory_space<hbm>> -> memref<4000xi32, #tpu.memory_space<hbm>>
    %dma_start3A_36 = tpu.memref_slice %arg5[%multiple_of3A] : memref<320000xi32, #tpu.memory_space<hbm>> -> memref<4000xi32, #tpu.memory_space<hbm>>
    tpu.enqueue_dma source(%dma_start3A_36 : memref<4000xi32, #tpu.memory_space<hbm>>) target(%arg17 : memref<4000xi32, #tpu.memory_space<vmem>>) target_semaphore(%arg21 : memref<!tpu.dma_semaphore, #tpu.memory_space<semaphore_mem>>)
    %scan3A = arith.constant 0 : i32
    %scan3A_37 = arith.constant 0 : i32
    %scan3A_38 = arith.constant 20 : i32
    %scan3A_39 = arith.addi %scan3A_37, %scan3A_38 : i32
    %scan3A_40 = arith.constant 1 : i32
    scf.for %scan3A_49 = %scan3A_37 to %scan3A_39 step %scan3A_40  : i32 {
      %mul3A_50 = arith.constant 2 : i32
      %mul3A_51 = arith.muli %mul3A_50, %scan3A_49 : i32
      %add3A_52 = arith.constant 1 : i32
      %add3A_53 = arith.addi %mul3A_51, %add3A_52 : i32
      %mul3A_54 = arith.constant 4000 : i32
      %mul3A_55 = arith.muli %add3A_53, %mul3A_54 : i32
      %add3A_56 = arith.addi %mul3A_0, %mul3A_55 : i32
      %multiple_of3A_57 = tpu.assume_multiple %add3A_56, 8 : i32
      %dma_start3A_58 = tpu.memref_slice %arg4[%multiple_of3A_57] : memref<320000xi32, #tpu.memory_space<hbm>> -> memref<4000xi32, #tpu.memory_space<hbm>>
      %dma_start3A_59 = tpu.memref_slice %arg4[%multiple_of3A_57] : memref<320000xi32, #tpu.memory_space<hbm>> -> memref<4000xi32, #tpu.memory_space<hbm>>
      tpu.enqueue_dma source(%dma_start3A_59 : memref<4000xi32, #tpu.memory_space<hbm>>) target(%arg16 : memref<4000xi32, #tpu.memory_space<vmem>>) target_semaphore(%arg22 : memref<!tpu.dma_semaphore, #tpu.memory_space<semaphore_mem>>)
      %dma_start3A_60 = tpu.memref_slice %arg5[%multiple_of3A_57] : memref<320000xi32, #tpu.memory_space<hbm>> -> memref<4000xi32, #tpu.memory_space<hbm>>
      %dma_start3A_61 = tpu.memref_slice %arg5[%multiple_of3A_57] : memref<320000xi32, #tpu.memory_space<hbm>> -> memref<4000xi32, #tpu.memory_space<hbm>>
      tpu.enqueue_dma source(%dma_start3A_61 : memref<4000xi32, #tpu.memory_space<hbm>>) target(%arg18 : memref<4000xi32, #tpu.memory_space<vmem>>) target_semaphore(%arg22 : memref<!tpu.dma_semaphore, #tpu.memory_space<semaphore_mem>>)
      %gt3A = arith.constant 0 : i32
      %gt3A_62 = arith.cmpi sgt, %scan3A_49, %gt3A : i32
      %convert_element_type3A = arith.extui %gt3A_62 : i1 to i32
      %cond3A = arith.constant 0 : i32
      %cond3A_63 = arith.cmpi ne, %convert_element_type3A, %cond3A : i32
      scf.if %cond3A_63 {
        %dma_wait3A_112 = arith.constant 0 : i32
        %dma_wait3A_113 = tpu.memref_slice %arg6[%dma_wait3A_112] : memref<5120000xf32, #tpu.memory_space<hbm>> -> memref<4000xf32, #tpu.memory_space<hbm>>
        %dma_wait3A_114 = arith.constant 0 : i32
        %dma_wait3A_115 = tpu.memref_slice %arg6[%dma_wait3A_114] : memref<5120000xf32, #tpu.memory_space<hbm>> -> memref<4000xf32, #tpu.memory_space<hbm>>
        tpu.wait_dma2 semaphore(%arg23 : memref<!tpu.dma_semaphore, #tpu.memory_space<semaphore_mem>>) src(%arg19 : memref<4000xf32, #tpu.memory_space<vmem>>) dst(%dma_wait3A_115 : memref<4000xf32, #tpu.memory_space<hbm>>)
      } else {
      }
      %dma_wait3A_64 = arith.constant 0 : i32
      %dma_wait3A_65 = tpu.memref_slice %arg4[%dma_wait3A_64] : memref<320000xi32, #tpu.memory_space<hbm>> -> memref<4000xi32, #tpu.memory_space<hbm>>
      %dma_wait3A_66 = arith.constant 0 : i32
      %dma_wait3A_67 = tpu.memref_slice %arg4[%dma_wait3A_66] : memref<320000xi32, #tpu.memory_space<hbm>> -> memref<4000xi32, #tpu.memory_space<hbm>>
      tpu.wait_dma2 semaphore(%arg21 : memref<!tpu.dma_semaphore, #tpu.memory_space<semaphore_mem>>) src(%dma_wait3A_67 : memref<4000xi32, #tpu.memory_space<hbm>>) dst(%arg15 : memref<4000xi32, #tpu.memory_space<vmem>>)
      %dma_wait3A_68 = arith.constant 0 : i32
      %dma_wait3A_69 = tpu.memref_slice %arg5[%dma_wait3A_68] : memref<320000xi32, #tpu.memory_space<hbm>> -> memref<4000xi32, #tpu.memory_space<hbm>>
      %dma_wait3A_70 = arith.constant 0 : i32
      %dma_wait3A_71 = tpu.memref_slice %arg5[%dma_wait3A_70] : memref<320000xi32, #tpu.memory_space<hbm>> -> memref<4000xi32, #tpu.memory_space<hbm>>
      tpu.wait_dma2 semaphore(%arg21 : memref<!tpu.dma_semaphore, #tpu.memory_space<semaphore_mem>>) src(%dma_wait3A_71 : memref<4000xi32, #tpu.memory_space<hbm>>) dst(%arg17 : memref<4000xi32, #tpu.memory_space<vmem>>)
      %parallel_loop3A = arith.constant 0 : i32
      %parallel_loop3A_72 = arith.constant 250 : i32
      %parallel_loop3A_73 = arith.constant 1 : i32
      scf.for %parallel_loop3A_112 = %parallel_loop3A to %parallel_loop3A_72 step %parallel_loop3A_73  : i32 {
        %parallel_loop3A_113 = arith.constant 16 : i32
        %parallel_loop3A_114 = arith.muli %parallel_loop3A_112, %parallel_loop3A_113 : i32
        %parallel_loop3A_115 = arith.index_cast %parallel_loop3A_114 : i32 to index
        %parallel_loop3A_116 = tpu.vector_load %arg15[%parallel_loop3A_115] {strides = array<i32>} : memref<4000xi32, #tpu.memory_space<vmem>>, vector<16xi32>,
        %parallel_loop3A_117 = arith.index_cast %parallel_loop3A_114 : i32 to index
        %parallel_loop3A_118 = tpu.vector_load %arg17[%parallel_loop3A_117] {strides = array<i32>} : memref<4000xi32, #tpu.memory_space<vmem>>, vector<16xi32>,
        %parallel_loop3A_119 = arith.constant 0.000000e+00 : f32
        %parallel_loop3A_120 = vector.broadcast %parallel_loop3A_119 : f32 to vector<16xf32>
        %parallel_loop3A_121 = arith.constant 0.000000e+00 : f32
        %parallel_loop3A_122 = vector.broadcast %parallel_loop3A_121 : f32 to vector<16xf32>
        %parallel_loop3A_123 = tpu.vector_load_idx %arg7[%parallel_loop3A_116] : memref<10000xi32, #tpu.memory_space<vmem>>[vector<16xi32>], vector<16xi32>,
        %parallel_loop3A_124 = tpu.vector_load_idx %arg11[%parallel_loop3A_118] : memref<10000xi32, #tpu.memory_space<vmem>>[vector<16xi32>], vector<16xi32>,
        %parallel_loop3A_125 = vector.bitcast %parallel_loop3A_123 : vector<16xi32> to vector<32xbf16>
        %parallel_loop3A_126 = vector.bitcast %parallel_loop3A_124 : vector<16xi32> to vector<32xbf16>
        %parallel_loop3A_127 = arith.mulf %parallel_loop3A_125, %parallel_loop3A_126 : vector<32xbf16>
        %parallel_loop3A_128 = tpu.unpack_subelements %parallel_loop3A_127, 0 {pack_format = #tpu.pack_format<interleaved>} : vector<32xbf16> -> vector<16xf32>
        %parallel_loop3A_129 = tpu.unpack_subelements %parallel_loop3A_127, 1 {pack_format = #tpu.pack_format<interleaved>} : vector<32xbf16> -> vector<16xf32>
        %parallel_loop3A_130 = arith.addf %parallel_loop3A_120, %parallel_loop3A_128 : vector<16xf32>
        %parallel_loop3A_131 = arith.addf %parallel_loop3A_122, %parallel_loop3A_129 : vector<16xf32>
        %parallel_loop3A_132 = tpu.vector_load_idx %arg8[%parallel_loop3A_116] : memref<10000xi32, #tpu.memory_space<vmem>>[vector<16xi32>], vector<16xi32>,
        %parallel_loop3A_133 = tpu.vector_load_idx %arg12[%parallel_loop3A_118] : memref<10000xi32, #tpu.memory_space<vmem>>[vector<16xi32>], vector<16xi32>,
        %parallel_loop3A_134 = vector.bitcast %parallel_loop3A_132 : vector<16xi32> to vector<32xbf16>
        %parallel_loop3A_135 = vector.bitcast %parallel_loop3A_133 : vector<16xi32> to vector<32xbf16>
        %parallel_loop3A_136 = arith.mulf %parallel_loop3A_134, %parallel_loop3A_135 : vector<32xbf16>
        %parallel_loop3A_137 = tpu.unpack_subelements %parallel_loop3A_136, 0 {pack_format = #tpu.pack_format<interleaved>} : vector<32xbf16> -> vector<16xf32>
        %parallel_loop3A_138 = tpu.unpack_subelements %parallel_loop3A_136, 1 {pack_format = #tpu.pack_format<interleaved>} : vector<32xbf16> -> vector<16xf32>
        %parallel_loop3A_139 = arith.addf %parallel_loop3A_130, %parallel_loop3A_137 : vector<16xf32>
        %parallel_loop3A_140 = arith.addf %parallel_loop3A_131, %parallel_loop3A_138 : vector<16xf32>
        %parallel_loop3A_141 = tpu.vector_load_idx %arg9[%parallel_loop3A_116] : memref<10000xi32, #tpu.memory_space<vmem>>[vector<16xi32>], vector<16xi32>,
        %parallel_loop3A_142 = tpu.vector_load_idx %arg13[%parallel_loop3A_118] : memref<10000xi32, #tpu.memory_space<vmem>>[vector<16xi32>], vector<16xi32>,
        %parallel_loop3A_143 = vector.bitcast %parallel_loop3A_141 : vector<16xi32> to vector<32xbf16>
        %parallel_loop3A_144 = vector.bitcast %parallel_loop3A_142 : vector<16xi32> to vector<32xbf16>
        %parallel_loop3A_145 = arith.mulf %parallel_loop3A_143, %parallel_loop3A_144 : vector<32xbf16>
        %parallel_loop3A_146 = tpu.unpack_subelements %parallel_loop3A_145, 0 {pack_format = #tpu.pack_format<interleaved>} : vector<32xbf16> -> vector<16xf32>
        %parallel_loop3A_147 = tpu.unpack_subelements %parallel_loop3A_145, 1 {pack_format = #tpu.pack_format<interleaved>} : vector<32xbf16> -> vector<16xf32>
        %parallel_loop3A_148 = arith.addf %parallel_loop3A_139, %parallel_loop3A_146 : vector<16xf32>
        %parallel_loop3A_149 = arith.addf %parallel_loop3A_140, %parallel_loop3A_147 : vector<16xf32>
        %parallel_loop3A_150 = tpu.vector_load_idx %arg10[%parallel_loop3A_116] : memref<10000xi32, #tpu.memory_space<vmem>>[vector<16xi32>], vector<16xi32>,
        %parallel_loop3A_151 = tpu.vector_load_idx %arg14[%parallel_loop3A_118] : memref<10000xi32, #tpu.memory_space<vmem>>[vector<16xi32>], vector<16xi32>,
        %parallel_loop3A_152 = vector.bitcast %parallel_loop3A_150 : vector<16xi32> to vector<32xbf16>
        %parallel_loop3A_153 = vector.bitcast %parallel_loop3A_151 : vector<16xi32> to vector<32xbf16>
        %parallel_loop3A_154 = arith.mulf %parallel_loop3A_152, %parallel_loop3A_153 : vector<32xbf16>
        %parallel_loop3A_155 = tpu.unpack_subelements %parallel_loop3A_154, 0 {pack_format = #tpu.pack_format<interleaved>} : vector<32xbf16> -> vector<16xf32>
        %parallel_loop3A_156 = tpu.unpack_subelements %parallel_loop3A_154, 1 {pack_format = #tpu.pack_format<interleaved>} : vector<32xbf16> -> vector<16xf32>
        %parallel_loop3A_157 = arith.addf %parallel_loop3A_148, %parallel_loop3A_155 : vector<16xf32>
        %parallel_loop3A_158 = arith.addf %parallel_loop3A_149, %parallel_loop3A_156 : vector<16xf32>
        %parallel_loop3A_159 = arith.addf %parallel_loop3A_157, %parallel_loop3A_158 : vector<16xf32>
        %parallel_loop3A_160 = arith.index_cast %parallel_loop3A_114 : i32 to index
        %parallel_loop3A_161 = tpu.vector_load %arg19[%parallel_loop3A_160] {strides = array<i32>} : memref<4000xf32, #tpu.memory_space<vmem>>, vector<16xf32>,
        tpu.vector_store %arg19[%parallel_loop3A_160], %parallel_loop3A_159 {strides = array<i32>} : memref<4000xf32, #tpu.memory_space<vmem>>, vector<16xf32>,
      } {sc.loop_unroll_factor = 8 : i64, sc.parallel_access}
      %mul3A_74 = arith.constant 320000 : i32
      %mul3A_75 = arith.muli %arg1, %mul3A_74 : i32
      %add3A_76 = arith.addi %mul3A_75, %mul3A_0 : i32
      %mul3A_77 = arith.constant 4000 : i32
      %mul3A_78 = arith.muli %mul3A_51, %mul3A_77 : i32
      %add3A_79 = arith.addi %add3A_76, %mul3A_78 : i32
      %multiple_of3A_80 = tpu.assume_multiple %add3A_79, 8 : i32
      %dma_start3A_81 = tpu.memref_slice %arg6[%multiple_of3A_80] : memref<5120000xf32, #tpu.memory_space<hbm>> -> memref<4000xf32, #tpu.memory_space<hbm>>
      %dma_start3A_82 = tpu.memref_slice %arg6[%multiple_of3A_80] : memref<5120000xf32, #tpu.memory_space<hbm>> -> memref<4000xf32, #tpu.memory_space<hbm>>
      tpu.enqueue_dma source(%arg19 : memref<4000xf32, #tpu.memory_space<vmem>>) target(%dma_start3A_82 : memref<4000xf32, #tpu.memory_space<hbm>>) target_semaphore(%arg23 : memref<!tpu.dma_semaphore, #tpu.memory_space<semaphore_mem>>)
      %lt3A = arith.constant 19 : i32
      %lt3A_83 = arith.cmpi slt, %scan3A_49, %lt3A : i32
      %convert_element_type3A_84 = arith.extui %lt3A_83 : i1 to i32
      %cond3A_85 = arith.constant 0 : i32
      %cond3A_86 = arith.cmpi ne, %convert_element_type3A_84, %cond3A_85 : i32
      scf.if %cond3A_86 {
        %add3A_112 = arith.constant 1 : i32
        %add3A_113 = arith.addi %add3A_53, %add3A_112 : i32
        %mul3A_114 = arith.constant 4000 : i32
        %mul3A_115 = arith.muli %add3A_113, %mul3A_114 : i32
        %add3A_116 = arith.addi %mul3A_0, %mul3A_115 : i32
        %multiple_of3A_117 = tpu.assume_multiple %add3A_116, 8 : i32
        %dma_start3A_118 = tpu.memref_slice %arg4[%multiple_of3A_117] : memref<320000xi32, #tpu.memory_space<hbm>> -> memref<4000xi32, #tpu.memory_space<hbm>>
        %dma_start3A_119 = tpu.memref_slice %arg4[%multiple_of3A_117] : memref<320000xi32, #tpu.memory_space<hbm>> -> memref<4000xi32, #tpu.memory_space<hbm>>
        tpu.enqueue_dma source(%dma_start3A_119 : memref<4000xi32, #tpu.memory_space<hbm>>) target(%arg15 : memref<4000xi32, #tpu.memory_space<vmem>>) target_semaphore(%arg21 : memref<!tpu.dma_semaphore, #tpu.memory_space<semaphore_mem>>)
        %dma_start3A_120 = tpu.memref_slice %arg5[%multiple_of3A_117] : memref<320000xi32, #tpu.memory_space<hbm>> -> memref<4000xi32, #tpu.memory_space<hbm>>
        %dma_start3A_121 = tpu.memref_slice %arg5[%multiple_of3A_117] : memref<320000xi32, #tpu.memory_space<hbm>> -> memref<4000xi32, #tpu.memory_space<hbm>>
        tpu.enqueue_dma source(%dma_start3A_121 : memref<4000xi32, #tpu.memory_space<hbm>>) target(%arg17 : memref<4000xi32, #tpu.memory_space<vmem>>) target_semaphore(%arg21 : memref<!tpu.dma_semaphore, #tpu.memory_space<semaphore_mem>>)
      } else {
      }
      %gt3A_87 = arith.constant 0 : i32
      %gt3A_88 = arith.cmpi sgt, %scan3A_49, %gt3A_87 : i32
      %convert_element_type3A_89 = arith.extui %gt3A_88 : i1 to i32
      %cond3A_90 = arith.constant 0 : i32
      %cond3A_91 = arith.cmpi ne, %convert_element_type3A_89, %cond3A_90 : i32
      scf.if %cond3A_91 {
        %dma_wait3A_112 = arith.constant 0 : i32
        %dma_wait3A_113 = tpu.memref_slice %arg6[%dma_wait3A_112] : memref<5120000xf32, #tpu.memory_space<hbm>> -> memref<4000xf32, #tpu.memory_space<hbm>>
        %dma_wait3A_114 = arith.constant 0 : i32
        %dma_wait3A_115 = tpu.memref_slice %arg6[%dma_wait3A_114] : memref<5120000xf32, #tpu.memory_space<hbm>> -> memref<4000xf32, #tpu.memory_space<hbm>>
        tpu.wait_dma2 semaphore(%arg24 : memref<!tpu.dma_semaphore, #tpu.memory_space<semaphore_mem>>) src(%arg20 : memref<4000xf32, #tpu.memory_space<vmem>>) dst(%dma_wait3A_115 : memref<4000xf32, #tpu.memory_space<hbm>>)
      } else {
      }
      %dma_wait3A_92 = arith.constant 0 : i32
      %dma_wait3A_93 = tpu.memref_slice %arg4[%dma_wait3A_92] : memref<320000xi32, #tpu.memory_space<hbm>> -> memref<4000xi32, #tpu.memory_space<hbm>>
      %dma_wait3A_94 = arith.constant 0 : i32
      %dma_wait3A_95 = tpu.memref_slice %arg4[%dma_wait3A_94] : memref<320000xi32, #tpu.memory_space<hbm>> -> memref<4000xi32, #tpu.memory_space<hbm>>
      tpu.wait_dma2 semaphore(%arg22 : memref<!tpu.dma_semaphore, #tpu.memory_space<semaphore_mem>>) src(%dma_wait3A_95 : memref<4000xi32, #tpu.memory_space<hbm>>) dst(%arg16 : memref<4000xi32, #tpu.memory_space<vmem>>)
      %dma_wait3A_96 = arith.constant 0 : i32
      %dma_wait3A_97 = tpu.memref_slice %arg5[%dma_wait3A_96] : memref<320000xi32, #tpu.memory_space<hbm>> -> memref<4000xi32, #tpu.memory_space<hbm>>
      %dma_wait3A_98 = arith.constant 0 : i32
      %dma_wait3A_99 = tpu.memref_slice %arg5[%dma_wait3A_98] : memref<320000xi32, #tpu.memory_space<hbm>> -> memref<4000xi32, #tpu.memory_space<hbm>>
      tpu.wait_dma2 semaphore(%arg22 : memref<!tpu.dma_semaphore, #tpu.memory_space<semaphore_mem>>) src(%dma_wait3A_99 : memref<4000xi32, #tpu.memory_space<hbm>>) dst(%arg18 : memref<4000xi32, #tpu.memory_space<vmem>>)
      %parallel_loop3A_100 = arith.constant 0 : i32
      %parallel_loop3A_101 = arith.constant 250 : i32
      %parallel_loop3A_102 = arith.constant 1 : i32
      scf.for %parallel_loop3A_112 = %parallel_loop3A_100 to %parallel_loop3A_101 step %parallel_loop3A_102  : i32 {
        %parallel_loop3A_113 = arith.constant 16 : i32
        %parallel_loop3A_114 = arith.muli %parallel_loop3A_112, %parallel_loop3A_113 : i32
        %parallel_loop3A_115 = arith.index_cast %parallel_loop3A_114 : i32 to index
        %parallel_loop3A_116 = tpu.vector_load %arg16[%parallel_loop3A_115] {strides = array<i32>} : memref<4000xi32, #tpu.memory_space<vmem>>, vector<16xi32>,
        %parallel_loop3A_117 = arith.index_cast %parallel_loop3A_114 : i32 to index
        %parallel_loop3A_118 = tpu.vector_load %arg18[%parallel_loop3A_117] {strides = array<i32>} : memref<4000xi32, #tpu.memory_space<vmem>>, vector<16xi32>,
        %parallel_loop3A_119 = arith.constant 0.000000e+00 : f32
        %parallel_loop3A_120 = vector.broadcast %parallel_loop3A_119 : f32 to vector<16xf32>
        %parallel_loop3A_121 = arith.constant 0.000000e+00 : f32
        %parallel_loop3A_122 = vector.broadcast %parallel_loop3A_121 : f32 to vector<16xf32>
        %parallel_loop3A_123 = tpu.vector_load_idx %arg7[%parallel_loop3A_116] : memref<10000xi32, #tpu.memory_space<vmem>>[vector<16xi32>], vector<16xi32>,
        %parallel_loop3A_124 = tpu.vector_load_idx %arg11[%parallel_loop3A_118] : memref<10000xi32, #tpu.memory_space<vmem>>[vector<16xi32>], vector<16xi32>,
        %parallel_loop3A_125 = vector.bitcast %parallel_loop3A_123 : vector<16xi32> to vector<32xbf16>
        %parallel_loop3A_126 = vector.bitcast %parallel_loop3A_124 : vector<16xi32> to vector<32xbf16>
        %parallel_loop3A_127 = arith.mulf %parallel_loop3A_125, %parallel_loop3A_126 : vector<32xbf16>
        %parallel_loop3A_128 = tpu.unpack_subelements %parallel_loop3A_127, 0 {pack_format = #tpu.pack_format<interleaved>} : vector<32xbf16> -> vector<16xf32>
        %parallel_loop3A_129 = tpu.unpack_subelements %parallel_loop3A_127, 1 {pack_format = #tpu.pack_format<interleaved>} : vector<32xbf16> -> vector<16xf32>
        %parallel_loop3A_130 = arith.addf %parallel_loop3A_120, %parallel_loop3A_128 : vector<16xf32>
        %parallel_loop3A_131 = arith.addf %parallel_loop3A_122, %parallel_loop3A_129 : vector<16xf32>
        %parallel_loop3A_132 = tpu.vector_load_idx %arg8[%parallel_loop3A_116] : memref<10000xi32, #tpu.memory_space<vmem>>[vector<16xi32>], vector<16xi32>,
        %parallel_loop3A_133 = tpu.vector_load_idx %arg12[%parallel_loop3A_118] : memref<10000xi32, #tpu.memory_space<vmem>>[vector<16xi32>], vector<16xi32>,
        %parallel_loop3A_134 = vector.bitcast %parallel_loop3A_132 : vector<16xi32> to vector<32xbf16>
        %parallel_loop3A_135 = vector.bitcast %parallel_loop3A_133 : vector<16xi32> to vector<32xbf16>
        %parallel_loop3A_136 = arith.mulf %parallel_loop3A_134, %parallel_loop3A_135 : vector<32xbf16>
        %parallel_loop3A_137 = tpu.unpack_subelements %parallel_loop3A_136, 0 {pack_format = #tpu.pack_format<interleaved>} : vector<32xbf16> -> vector<16xf32>
        %parallel_loop3A_138 = tpu.unpack_subelements %parallel_loop3A_136, 1 {pack_format = #tpu.pack_format<interleaved>} : vector<32xbf16> -> vector<16xf32>
        %parallel_loop3A_139 = arith.addf %parallel_loop3A_130, %parallel_loop3A_137 : vector<16xf32>
        %parallel_loop3A_140 = arith.addf %parallel_loop3A_131, %parallel_loop3A_138 : vector<16xf32>
        %parallel_loop3A_141 = tpu.vector_load_idx %arg9[%parallel_loop3A_116] : memref<10000xi32, #tpu.memory_space<vmem>>[vector<16xi32>], vector<16xi32>,
        %parallel_loop3A_142 = tpu.vector_load_idx %arg13[%parallel_loop3A_118] : memref<10000xi32, #tpu.memory_space<vmem>>[vector<16xi32>], vector<16xi32>,
        %parallel_loop3A_143 = vector.bitcast %parallel_loop3A_141 : vector<16xi32> to vector<32xbf16>
        %parallel_loop3A_144 = vector.bitcast %parallel_loop3A_142 : vector<16xi32> to vector<32xbf16>
        %parallel_loop3A_145 = arith.mulf %parallel_loop3A_143, %parallel_loop3A_144 : vector<32xbf16>
        %parallel_loop3A_146 = tpu.unpack_subelements %parallel_loop3A_145, 0 {pack_format = #tpu.pack_format<interleaved>} : vector<32xbf16> -> vector<16xf32>
        %parallel_loop3A_147 = tpu.unpack_subelements %parallel_loop3A_145, 1 {pack_format = #tpu.pack_format<interleaved>} : vector<32xbf16> -> vector<16xf32>
        %parallel_loop3A_148 = arith.addf %parallel_loop3A_139, %parallel_loop3A_146 : vector<16xf32>
        %parallel_loop3A_149 = arith.addf %parallel_loop3A_140, %parallel_loop3A_147 : vector<16xf32>
        %parallel_loop3A_150 = tpu.vector_load_idx %arg10[%parallel_loop3A_116] : memref<10000xi32, #tpu.memory_space<vmem>>[vector<16xi32>], vector<16xi32>,
        %parallel_loop3A_151 = tpu.vector_load_idx %arg14[%parallel_loop3A_118] : memref<10000xi32, #tpu.memory_space<vmem>>[vector<16xi32>], vector<16xi32>,
        %parallel_loop3A_152 = vector.bitcast %parallel_loop3A_150 : vector<16xi32> to vector<32xbf16>
        %parallel_loop3A_153 = vector.bitcast %parallel_loop3A_151 : vector<16xi32> to vector<32xbf16>
        %parallel_loop3A_154 = arith.mulf %parallel_loop3A_152, %parallel_loop3A_153 : vector<32xbf16>
        %parallel_loop3A_155 = tpu.unpack_subelements %parallel_loop3A_154, 0 {pack_format = #tpu.pack_format<interleaved>} : vector<32xbf16> -> vector<16xf32>
        %parallel_loop3A_156 = tpu.unpack_subelements %parallel_loop3A_154, 1 {pack_format = #tpu.pack_format<interleaved>} : vector<32xbf16> -> vector<16xf32>
        %parallel_loop3A_157 = arith.addf %parallel_loop3A_148, %parallel_loop3A_155 : vector<16xf32>
        %parallel_loop3A_158 = arith.addf %parallel_loop3A_149, %parallel_loop3A_156 : vector<16xf32>
        %parallel_loop3A_159 = arith.addf %parallel_loop3A_157, %parallel_loop3A_158 : vector<16xf32>
        %parallel_loop3A_160 = arith.index_cast %parallel_loop3A_114 : i32 to index
        %parallel_loop3A_161 = tpu.vector_load %arg20[%parallel_loop3A_160] {strides = array<i32>} : memref<4000xf32, #tpu.memory_space<vmem>>, vector<16xf32>,
        tpu.vector_store %arg20[%parallel_loop3A_160], %parallel_loop3A_159 {strides = array<i32>} : memref<4000xf32, #tpu.memory_space<vmem>>, vector<16xf32>,
      } {sc.loop_unroll_factor = 8 : i64, sc.parallel_access}
      %mul3A_103 = arith.constant 320000 : i32
      %mul3A_104 = arith.muli %arg1, %mul3A_103 : i32
      %add3A_105 = arith.addi %mul3A_104, %mul3A_0 : i32
      %mul3A_106 = arith.constant 4000 : i32
      %mul3A_107 = arith.muli %add3A_53, %mul3A_106 : i32
      %add3A_108 = arith.addi %add3A_105, %mul3A_107 : i32
      %multiple_of3A_109 = tpu.assume_multiple %add3A_108, 8 : i32
      %dma_start3A_110 = tpu.memref_slice %arg6[%multiple_of3A_109] : memref<5120000xf32, #tpu.memory_space<hbm>> -> memref<4000xf32, #tpu.memory_space<hbm>>
      %dma_start3A_111 = tpu.memref_slice %arg6[%multiple_of3A_109] : memref<5120000xf32, #tpu.memory_space<hbm>> -> memref<4000xf32, #tpu.memory_space<hbm>>
      tpu.enqueue_dma source(%arg20 : memref<4000xf32, #tpu.memory_space<vmem>>) target(%dma_start3A_111 : memref<4000xf32, #tpu.memory_space<hbm>>) target_semaphore(%arg24 : memref<!tpu.dma_semaphore, #tpu.memory_space<semaphore_mem>>)
    }
    %scan3A_41 = arith.constant 20 : i32
    %dma_wait3A = arith.constant 0 : i32
    %dma_wait3A_42 = tpu.memref_slice %arg6[%dma_wait3A] : memref<5120000xf32, #tpu.memory_space<hbm>> -> memref<4000xf32, #tpu.memory_space<hbm>>
    %dma_wait3A_43 = arith.constant 0 : i32
    %dma_wait3A_44 = tpu.memref_slice %arg6[%dma_wait3A_43] : memref<5120000xf32, #tpu.memory_space<hbm>> -> memref<4000xf32, #tpu.memory_space<hbm>>
    tpu.wait_dma2 semaphore(%arg23 : memref<!tpu.dma_semaphore, #tpu.memory_space<semaphore_mem>>) src(%arg19 : memref<4000xf32, #tpu.memory_space<vmem>>) dst(%dma_wait3A_44 : memref<4000xf32, #tpu.memory_space<hbm>>)
    %dma_wait3A_45 = arith.constant 0 : i32
    %dma_wait3A_46 = tpu.memref_slice %arg6[%dma_wait3A_45] : memref<5120000xf32, #tpu.memory_space<hbm>> -> memref<4000xf32, #tpu.memory_space<hbm>>
    %dma_wait3A_47 = arith.constant 0 : i32
    %dma_wait3A_48 = tpu.memref_slice %arg6[%dma_wait3A_47] : memref<5120000xf32, #tpu.memory_space<hbm>> -> memref<4000xf32, #tpu.memory_space<hbm>>
    tpu.wait_dma2 semaphore(%arg24 : memref<!tpu.dma_semaphore, #tpu.memory_space<semaphore_mem>>) src(%arg20 : memref<4000xf32, #tpu.memory_space<vmem>>) dst(%dma_wait3A_48 : memref<4000xf32, #tpu.memory_space<hbm>>)
    return
  }
}

module attributes {stable_mosaic.version = 14 : i64} {
  func.func @_packT_body(%arg0: memref<10000x128xf32, #tpu.memory_space<vmem>>, %arg1: memref<10000x128xf32, #tpu.memory_space<vmem>>, %arg2: memref<64x10000xi32, #tpu.memory_space<vmem>>, %arg3: memref<64x10000xi32, #tpu.memory_space<vmem>>) attributes {dimension_semantics = [], scalar_prefetch = 0 : i64, scratch_operands = 0 : i64, tpu.core_type = #tpu.core_type<tc>} {
    %get3A = arith.constant 0 : index
    %get3A_0 = arith.constant 0 : index
    %get3A_1 = vector.load %arg0[%get3A, %get3A_0] : memref<10000x128xf32, #tpu.memory_space<vmem>>, vector<10000x128xf32>
    %bitcast_convert_type3A = tpu.bitcast %get3A_1 : vector<10000x128xf32> -> vector<10000x128xi32>
    %add3A = arith.constant 32767 : i32
    %add3A_2 = vector.broadcast %add3A : i32 to vector<10000x128xi32>
    %add3A_3 = arith.addi %bitcast_convert_type3A, %add3A_2 : vector<10000x128xi32>
    %shift_right_logical3A = arith.constant 16 : i32
    %shift_right_logical3A_4 = vector.broadcast %shift_right_logical3A : i32 to vector<10000x128xi32>
    %shift_right_logical3A_5 = arith.shrui %bitcast_convert_type3A, %shift_right_logical3A_4 : vector<10000x128xi32>
    %and3A = arith.constant 1 : i32
    %and3A_6 = vector.broadcast %and3A : i32 to vector<10000x128xi32>
    %and3A_7 = arith.andi %shift_right_logical3A_5, %and3A_6 : vector<10000x128xi32>
    %add3A_8 = arith.addi %add3A_3, %and3A_7 : vector<10000x128xi32>
    %shift_right_logical3A_9 = arith.constant 16 : i32
    %shift_right_logical3A_10 = vector.broadcast %shift_right_logical3A_9 : i32 to vector<10000x128xi32>
    %shift_right_logical3A_11 = arith.shrui %add3A_8, %shift_right_logical3A_10 : vector<10000x128xi32>
    %slice3A = vector.extract_strided_slice %shift_right_logical3A_11 {offsets = [0, 0], sizes = [10000, 64], strides = [1, 1]} : vector<10000x128xi32> to vector<10000x64xi32>
    %slice3A_12 = vector.extract_strided_slice %shift_right_logical3A_11 {offsets = [0, 64], sizes = [10000, 64], strides = [1, 1]} : vector<10000x128xi32> to vector<10000x64xi32>
    %shift_left3A = arith.constant 16 : i32
    %shift_left3A_13 = vector.broadcast %shift_left3A : i32 to vector<10000x64xi32>
    %shift_left3A_14 = arith.shli %slice3A_12, %shift_left3A_13 : vector<10000x64xi32>
    %or3A = arith.ori %slice3A, %shift_left3A_14 : vector<10000x64xi32>
    %transpose3A = tpu.transpose %or3A, [1, 0] : vector<10000x64xi32> -> vector<64x10000xi32>
    %swap3A = arith.constant 0 : index
    %swap3A_15 = arith.constant 0 : index
    %swap3A_16 = vector.load %arg2[%swap3A, %swap3A_15] : memref<64x10000xi32, #tpu.memory_space<vmem>>, vector<64x10000xi32>
    tpu.vector_store %arg2[%swap3A, %swap3A_15], %transpose3A {strides = array<i32>} : memref<64x10000xi32, #tpu.memory_space<vmem>>, vector<64x10000xi32>,
    %get3A_17 = arith.constant 0 : index
    %get3A_18 = arith.constant 0 : index
    %get3A_19 = vector.load %arg1[%get3A_17, %get3A_18] : memref<10000x128xf32, #tpu.memory_space<vmem>>, vector<10000x128xf32>
    %bitcast_convert_type3A_20 = tpu.bitcast %get3A_19 : vector<10000x128xf32> -> vector<10000x128xi32>
    %add3A_21 = arith.constant 32767 : i32
    %add3A_22 = vector.broadcast %add3A_21 : i32 to vector<10000x128xi32>
    %add3A_23 = arith.addi %bitcast_convert_type3A_20, %add3A_22 : vector<10000x128xi32>
    %shift_right_logical3A_24 = arith.constant 16 : i32
    %shift_right_logical3A_25 = vector.broadcast %shift_right_logical3A_24 : i32 to vector<10000x128xi32>
    %shift_right_logical3A_26 = arith.shrui %bitcast_convert_type3A_20, %shift_right_logical3A_25 : vector<10000x128xi32>
    %and3A_27 = arith.constant 1 : i32
    %and3A_28 = vector.broadcast %and3A_27 : i32 to vector<10000x128xi32>
    %and3A_29 = arith.andi %shift_right_logical3A_26, %and3A_28 : vector<10000x128xi32>
    %add3A_30 = arith.addi %add3A_23, %and3A_29 : vector<10000x128xi32>
    %shift_right_logical3A_31 = arith.constant 16 : i32
    %shift_right_logical3A_32 = vector.broadcast %shift_right_logical3A_31 : i32 to vector<10000x128xi32>
    %shift_right_logical3A_33 = arith.shrui %add3A_30, %shift_right_logical3A_32 : vector<10000x128xi32>
    %slice3A_34 = vector.extract_strided_slice %shift_right_logical3A_33 {offsets = [0, 0], sizes = [10000, 64], strides = [1, 1]} : vector<10000x128xi32> to vector<10000x64xi32>
    %slice3A_35 = vector.extract_strided_slice %shift_right_logical3A_33 {offsets = [0, 64], sizes = [10000, 64], strides = [1, 1]} : vector<10000x128xi32> to vector<10000x64xi32>
    %shift_left3A_36 = arith.constant 16 : i32
    %shift_left3A_37 = vector.broadcast %shift_left3A_36 : i32 to vector<10000x64xi32>
    %shift_left3A_38 = arith.shli %slice3A_35, %shift_left3A_37 : vector<10000x64xi32>
    %or3A_39 = arith.ori %slice3A_34, %shift_left3A_38 : vector<10000x64xi32>
    %transpose3A_40 = tpu.transpose %or3A_39, [1, 0] : vector<10000x64xi32> -> vector<64x10000xi32>
    %swap3A_41 = arith.constant 0 : index
    %swap3A_42 = arith.constant 0 : index
    %swap3A_43 = vector.load %arg3[%swap3A_41, %swap3A_42] : memref<64x10000xi32, #tpu.memory_space<vmem>>, vector<64x10000xi32>
    tpu.vector_store %arg3[%swap3A_41, %swap3A_42], %transpose3A_40 {strides = array<i32>} : memref<64x10000xi32, #tpu.memory_space<vmem>>, vector<64x10000xi32>,
    return
  }
}

module attributes {stable_mosaic.version = 14 : i64} {
  func.func @_rowsum_body(%arg0: i32, %arg1: memref<16x32000xf32, #tpu.memory_space<vmem>>, %arg2: memref<1x1x32000xf32, #tpu.memory_space<vmem>>) attributes {dimension_semantics = [#tpu.dimension_semantics<arbitrary>], iteration_bounds = array<i64: 10>, scalar_prefetch = 0 : i64, scratch_operands = 0 : i64, tpu.core_type = #tpu.core_type<tc>, window_params = [{transform_indices = @transform_0, window_bounds = array<i64: 16, 32000>}, {transform_indices = @transform_1, window_bounds = array<i64: 1, 1, 32000>}]} {
    %get3A = arith.constant 0 : index
    %get3A_0 = arith.constant 0 : index
    %get3A_1 = vector.load %arg1[%get3A, %get3A_0] : memref<16x32000xf32, #tpu.memory_space<vmem>>, vector<16x32000xf32>
    %reduce_sum3A = arith.constant dense<0.000000e+00> : vector<32000xf32>
    %reduce_sum3A_2 = vector.multi_reduction <add>, %get3A_1, %reduce_sum3A [0] : vector<16x32000xf32> to vector<32000xf32>
    %swap3A = arith.constant 0 : index
    %swap3A_3 = arith.constant 0 : index
    %swap3A_4 = arith.constant 0 : index
    %swap3A_5 = vector.load %arg2[%swap3A, %swap3A_3, %swap3A_4] : memref<1x1x32000xf32, #tpu.memory_space<vmem>>, vector<1x1x32000xf32>
    %swap3A_6 = vector.shape_cast %swap3A_5 : vector<1x1x32000xf32> to vector<32000xf32>
    %swap3A_7 = vector.shape_cast %reduce_sum3A_2 : vector<32000xf32> to vector<1x1x32000xf32>
    tpu.vector_store %arg2[%swap3A, %swap3A_3, %swap3A_4], %swap3A_7 {strides = array<i32>} : memref<1x1x32000xf32, #tpu.memory_space<vmem>>, vector<1x1x32000xf32>,
    return
  }
  func.func @transform_0(%arg0: i32) -> (i32, i32) {
    %c0_i32 = arith.constant 0 : i32
    %c0_i32_0 = arith.constant 0 : i32
    return %c0_i32, %arg0 : i32, i32
  }
  func.func @transform_1(%arg0: i32) -> (i32, i32, i32) {
    %c0_i32 = arith.constant 0 : i32
    %c0_i32_0 = arith.constant 0 : i32
    %c0_i32_1 = arith.constant 0 : i32
    return %arg0, %c0_i32, %c0_i32_0 : i32, i32, i32
  }
}

</mosaic_0001>

<sc_bundles>
// kernel: kernel.5.cloned.1.call-start
scs
__scs_entry_jumppad:
0x0: {  	(pc) =	sbr.rel $0x88, $3  }
0x1: {  	(tag) =	ssettag $0x0;
	lr =	simm.s32 $0x1  }
0x2: {  	[smem:$0x3F9E] =	sst lr;
	_ =	strace $0xD0000000  }
0x3: {  	_ = 	snop  }
0x4: {  	_ = 	snop  }
0x5: {  	_ = 	snop  }
0x6: {  	_ = 	snop  }
0x7: {  	_ = 	snop  }
__scs_overlays_trampoline_lowered:
0x8: {  	[smem:$0x3FAD] =	sst s0  }
0x9: {  	[smem:$0x3FAE] =	sst s1  }
0xa: {  	[smem:$0x3FAF] =	sst s2  }
0xb: {  	[smem:$0x3FB0] =	sst s3  }
0xc: {  	[smem:$0x3FB1] =	sst s4  }
0xd: {  	[smem:$0x3FB2] =	sst s5  }
0xe: {  	[smem:$0x3FB3] =	sst s6  }
0xf: {  	[smem:$0x3FB4] =	sst s7  }
0x10: {  	[smem:$0x3FB5] =	sst s8  }
0x11: {  	[smem:$0x3FB6] =	sst s9;
	s0 =	simm.s32 @!p0 $0x0  }
0x12: {  	s1 =	sld [smem:$0x3F9C];
	s0 =	simm.s32 @p0 $0x1  }
0x13: {  	[smem:$0x3FB7] =	sst s0;
	s0 =	simm.s32 @!p1 $0x0  }
0x14: {  	s2 =	sld [smem:$0x3F9B];
	s0 =	simm.s32 @p1 $0x1  }
0x15: {  	[smem:$0x3FB8] =	sst s0;
	s0 =	simm.s32 @!p2 $0x0  }
0x16: {  	s3 =	sld [smem:$0x3FDB];
	s0 =	simm.s32 @p2 $0x1  }
0x17: {  	s4 =	simm.s32 $0x1BF5;
	[smem:$0x3FBA] =	sst s0  }
0x18: {  	s0 =	sld [smem:$0x3F9D];
	_ =	swait.ge [sflag:s4], $0x0  }
0x19: {  	s7 =	sld [smem:$0x3F9E]  }
0x1a: {  	s8 =	sadd.s32 $0xFFFFE003, lr  }
0x1b: {  	s9 =	sadd.s32 $0xFFFFFEF7, lr;
	s5 =	simm.s32 $0xFFFFFFFF;
	p2 =	slt.u32 s8, $0xFFFFF086  }
0x1c: {  	p1 =	slt.u32 s9, $0xF7A;
	s5 =	simm.s32 @!p2 $0x0  }
0x1d: {  	s5 =	simm.s32 @p1 $0x1;
	p0 =	seq.s32 s7, s2  }
0x1e: {  	s7 =	smul.u32 @!p0 $0xF7A, s2;
	p2 =	seq.s32 @!p0 s5, $0x0  }
0x1f: {  	s9 =	smul.u32 $0xF7A, s1;
	s8 =	simm.s32 @!p0 $0x1BF5;
	p2 =	por !p2, p0  }
0x20: {  	[sflag:s8] =	ssyncset.s32 @!p0 $0xFFFFF086;
	s6 =	sadd.s32 @!p0 s3, s7;
	s7 =	simm.s32 @!p0 $0x108  }
0x21: {  	s3 =	sadd.s32 s3, s9;
	s6 =	sadd.s32 @!p0 $0x88, s6;
	s7 =	simm.s32 @p2 $0x1082  }
0x22: {  	[simem:s7], [sflag:s8] =	dma.local @!p0 [hbm:s6], $0xF7A  }
0x23: {  	s9 =	sor.u32 $0xD0000000, s2;
	s6 =	simm.s32 $0x108;
	_ =	swait.ge @!p0 [sflag:s8], $0x0  }
0x24: {  	s3 =	sadd.s32 $0x88, s3;
	s6 =	simm.s32 @!p1 $0x1082;
	[sflag:s4] =	ssyncset.s32 $0xFFFFF086  }
0x25: {  	[simem:s6], [sflag:s4] =	dma.local [hbm:s3], $0xF7A  }
0x26: {  	[smem:$0x3F9E] =	sst s1;
	(tag) =	ssettag s2;
	_ =	strace s9  }
0x27: {  	s1 =	sld [smem:$0x3FAE]  }
0x28: {  	s2 =	sld [smem:$0x3FAF]  }
0x29: {  	s4 =	sld [smem:$0x3FB1]  }
0x2a: {  	p0 =	seq.s32 s5, $0x0;
	s5 =	sld [smem:$0x3FB2]  }
0x2b: {  	s6 =	sld [smem:$0x3FB3]  }
0x2c: {  	s7 =	sld [smem:$0x3FB4]  }
0x2d: {  	s3 =	simm.s32 $0x108;
	s8 =	sld [smem:$0x3FB5]  }
0x2e: {  	s3 =	simm.s32 @!p0 $0x1082;
	s9 =	sld [smem:$0x3FB6]  }
0x2f: {  	lr =	sadd.s32 s0, s3;
	s0 =	sld [smem:$0x3FAD]  }
0x30: {  	s3 =	sld [smem:$0x3FB0]  }
0x31: {  	[smem:$0x3FB9] =	sst s10  }
0x32: {  	s10 =	sld [smem:$0x3FB7];
	_ =	sdelay $0x3  }
0x33: {  	p0 =	seq.s32 s10, $0x1;
	s10 =	sld [smem:$0x3FB9];
	_ =	sdelay $0x3  }
0x34: {  	[smem:$0x3FB9] =	sst s10  }
0x35: {  	s10 =	sld [smem:$0x3FB8];
	_ =	sdelay $0x3  }
0x36: {  	p1 =	seq.s32 s10, $0x1;
	s10 =	sld [smem:$0x3FB9];
	_ =	sdelay $0x3  }
0x37: {  	[smem:$0x3FB9] =	sst s10  }
0x38: {  	s10 =	sld [smem:$0x3FBA]  }
0x39: {  	_ = 	snop;
	(pc) =	sbr.ind lr, $3  }
0x3a: {  	_ = 	snop  }
0x3b: {  	_ = 	snop  }
0x3c: {  	p2 =	seq.s32 s10, $0x1;
	s10 =	sld [smem:$0x3FB9]  }
0x3d: {  	_ =	shalt  }
0x3e: {  	_ =	shalt  }
0x3f: {  	_ =	shalt  }
0x40: {  	_ =	shalt  }
0x41: {  	_ =	shalt  }
0x42: {  	_ =	shalt  }
0x43: {  	_ =	shalt  }
0x44: {  	_ =	shalt  }
0x45: {  	_ =	shalt  }
0x46: {  	_ =	shalt  }
0x47: {  	_ =	shalt  }
0x48: {  	_ =	shalt  }
0x49: {  	_ =	shalt  }
0x4a: {  	_ =	shalt  }
0x4b: {  	_ =	shalt  }
0x4c: {  	_ =	shalt  }
0x4d: {  	_ =	shalt  }
0x4e: {  	_ =	shalt  }
0x4f: {  	_ =	shalt  }
0x50: {  	_ =	shalt  }
0x51: {  	_ =	shalt  }
0x52: {  	_ =	shalt  }
0x53: {  	_ =	shalt  }
0x54: {  	_ =	shalt  }
0x55: {  	_ =	shalt  }
0x56: {  	_ =	shalt  }
0x57: {  	_ =	shalt  }
0x58: {  	_ =	shalt  }
0x59: {  	_ =	shalt  }
0x5a: {  	_ =	shalt  }
0x5b: {  	_ =	shalt  }
0x5c: {  	_ =	shalt  }
0x5d: {  	_ =	shalt  }
0x5e: {  	_ =	shalt  }
0x5f: {  	_ =	shalt  }
0x60: {  	_ =	shalt  }
0x61: {  	_ =	shalt  }
0x62: {  	_ =	shalt  }
0x63: {  	_ =	shalt  }
0x64: {  	_ =	shalt  }
0x65: {  	_ =	shalt  }
0x66: {  	_ =	shalt  }
0x67: {  	_ =	shalt  }
0x68: {  	_ =	shalt  }
0x69: {  	_ =	shalt  }
0x6a: {  	_ =	shalt  }
0x6b: {  	_ =	shalt  }
0x6c: {  	_ =	shalt  }
0x6d: {  	_ =	shalt  }
0x6e: {  	_ =	shalt  }
0x6f: {  	_ =	shalt  }
0x70: {  	_ =	shalt  }
0x71: {  	_ =	shalt  }
0x72: {  	_ =	shalt  }
0x73: {  	_ =	shalt  }
0x74: {  	_ =	shalt  }
0x75: {  	_ =	shalt  }
0x76: {  	_ =	shalt  }
0x77: {  	_ =	shalt  }
0x78: {  	_ =	shalt  }
0x79: {  	_ =	shalt  }
0x7a: {  	_ =	shalt  }
0x7b: {  	_ =	shalt  }
0x7c: {  	_ =	shalt  }
0x7d: {  	_ =	shalt  }
0x7e: {  	_ =	shalt  }
0x7f: {  	_ =	shalt  }
0x80: {  	_ =	shalt  }
0x81: {  	_ =	shalt  }
0x82: {  	_ =	shalt  }
0x83: {  	_ =	shalt  }
0x84: {  	_ =	shalt  }
0x85: {  	_ =	shalt  }
0x86: {  	_ =	shalt  }
0x87: {  	_ =	shalt  }
.Lfunc_end0:
.L_simem_size_0:
called_computation_lowered:
.L_overlay_start_0:
0x88: {  	s2 =	sld [smem:$0x3FD9]  }
0x89: {  	s3 =	sld [smem:$0x3FFE];
	_ =	sdelay $0x1  }
0x8a: {  	s1 =	srdreg.scid  }
0x8b: {  	s0 =	sand.u32 $0x1, s1  }
0x8c: {  	s17 =	sshll.u32 s0, $0xA;
	s2 =	sadd.s32 s3, s2  }
0x8d: {  	s2 =	sadd.s32 s2, s17  }
0x8e: {  	[smem:$0x3FC5] =	sst s2  }
0x8f: {  	_ = 	snop  }
0x90: {  	s2 =	sld [smem:$0x3FD0];
	(tm) =	ssettm $0x1  }
0x91: {  	s18 =	sld [smem:$0x3FFB];
	_ =	sdelay $0x3  }
0x92: {  	_ =	strace s18  }
0x93: {  	s3 =	sld [smem:$0x3FFC];
	_ =	sdelay $0x3  }
0x94: {  	_ =	strace s3  }
0x95: {  	s3 =	sld [smem:$0x3FFD];
	_ =	sdelay $0x3  }
0x96: {  	_ =	strace s3  }
0x97: {  	_ =	strace $0x8FFFFFFF  }
0x98: {  	s19 =	sld [smem:$0x3FDB];
	_ =	sdelay $0x1  }
0x99: {  	s4 =	simm.s32 $_scs_section_size  }
0x9a: {  	s5 =	simm.s32 $_size__tile_overlayer_lowered;
	s6 =	simm.s32 $_tile_overlayer_lowered  }
0x9b: {  	s22 =	simm.s32 $0x1BFF;
	s21 =	sshll.u32 s6, $0x1;
	s3 =	sadd.s32 s4, s19  }
0x9c: {  	s7 =	simm.s32 $0x0;
	s20 =	sshll.u32 s5, $0x1;
	s5 =	sadd.s32 s21, s3  }
0x9d: {  	[timem:s7], [sflag:s22] =	dma.local [hbm:s5], s20  }
0x9e: {  	_ =	swait.ge [sflag:s22], s20  }
0x9f: {  	s4 =	ssub.s32 $0x0, s20;
	[sflag:s22] =	ssyncset.done $0x0  }
0xa0: {  	[sflag:s22] =	ssyncadd.s32 s4;
	_ =	sdelay $0x1  }
0xa1: {  	s23 =	simm.s32 $0x1B8B  }
0xa2: {  	_ =	swait.ge [sflag:s23], $0x1  }
0xa3: {  	[sflag:s23] =	ssyncset.done $0x0  }
0xa4: {  	s25 =	simm.s32 $0x1B8E;
	s24 =	sld [smem:$0x3FFE];
	[sflag:s23] =	ssyncadd.s32 $0xFFFFFFFF  }
0xa5: {  	s26 =	simm.s32 $execute0_lowered;
	[smem:$0x3FD2] =	sst s25  }
0xa6: {  	s5 =	sshll.u32 s26, $0x1;
	_ =	strace $0x80000046;
	[dreg:$0x1] =	wrdreg $0xFFFFFFFF  }
0xa7: {  	s28 =	simm.s32 $_size_execute0_lowered;
	s3 =	sadd.s32 s3, s5;
	[dreg:$0x0] =	wrdreg $0x0  }
0xa8: {  	s5 =	sshll.u32 s28, $0x1;
	[dreg:$0x2] =	wrdreg s3  }
0xa9: {  	[dreg:$0x3] =	wrdreg s5  }
0xaa: {  	[dreg:$0x4] =	wrdreg $0xC0  }
0xab: {  	_ =	task [dreg:s7], $0x5FFFF  }
0xac: {  	[dreg:$0x1] =	wrdreg $0xFFFFFFFF  }
0xad: {  	[dreg:$0x0] =	wrdreg $0x60  }
0xae: {  	[dreg:$0x2] =	wrdreg s24  }
0xaf: {  	[dreg:$0x3] =	wrdreg s2  }
0xb0: {  	[dreg:$0x4] =	wrdreg $0x9  }
0xb1: {  	_ =	task.clear_ibuf [dreg:s7], $0x5FFFF;
	_ =	strace $0x90000046  }
0xb2: {  	s29 =	simm.s32 $0x9;
	_ =	strace $0x80000048  }
0xb3: {  	_ =	swait.ge [sflag:s29], $0x1  }
0xb4: {  	[sflag:s29] =	ssyncadd.s32 $0xFFFFFFFF  }
0xb5: {  	_ =	strace $0x90000048  }
0xb6: {  	_ =	sfence  }
0xb7: {  	s30 =	sld [smem:$0x0];
	_ =	sdelay $0x2  }
0xb8: {  	s31 =	sshll.u32 s1, $0xD;
	s1 =	sshrl.u32 s1, $0x2  }
0xb9: {  	s3 =	sand.u32 $0x4000, s31;
	s1 =	sadd.s32 s1, s30  }
0xba: {  	s0 =	sor.u32 s3, s0;
	s1 =	sshll.u32 s1, $0x11  }
0xbb: {  	s0 =	sor.u32 s1, s0  }
0xbc: {  	s0 =	sadd.s32 $0x8F2B, s0  }
0xbd: {  	[sflag:s0] =	ssyncadd.remote.s32 $0x1  }
0xbe: {  	_ =	sfence.sel $0xFFFF  }
0xbf: {  	[dreg:$0x0] =	wrdreg $0xFFFFFFFF;
	(pc) =	sbr.abs _section_cstart, $3  }
0xc0: {  	[dreg:$0x1] =	wrdreg $0xFFFFFFFF  }
0xc1: {  	_ =	task.clear_ibuf [dreg:s7], $0x2FFFF;
	_ =	strace $0x9FFFFFFF  }
0xc2: {  	(tm) =	ssettm $0x7FFFFFFF  }
0xc3: {  	_ =	shalt  }
tec
execute0_lowered:
.L_overlay_start_1:
0x0: {  	(tag) =	ssettag $0x1  }
0x1: {  	s1 =	rddreg [dreg:$0x0]  }
0x2: {  	s2 =	rddreg [dreg:$0x1];
	s4 =	simm.s32 $0x0  }
0x3: {  	s11 =	stileid.u32;
	s3 =	srdreg.scid;
	s28 =	simm.s32 $0xED00  }
0x4: {  	s29 =	simm.s32 $0x7680;
	s30 =	simm.s32 $0x11480;
	s31 =	simm.s32 $0x16C00  }
0x5: {  	s12 =	simm.s32 $0x0;
	[smem:$0x7FF] =	sst s4;
	s0 =	sadd.s32 $0x9E00, s1  }
0x6: {  	s5 =	sshrl.u32 s11, $0x1;
	s3 =	sand.u32 $0x1, s3;
	s16 =	sshll.u32 s11, $0x9  }
0x7: {  	s7 =	sadd.s32 $0x1DA00, s1;
	s24 =	smul.u32 $0x4E200, s11;
	s11 =	simm.s32 $0x4  }
0x8: {  	_ =	strace $0x80000047;
	s6 =	smul.u32 $0x13C00, s5;
	s8 =	ssub.s32 $0x2, s3  }
0x9: {  	s9 =	sand.u32 $0x200, s16;
	s5 =	sadd.s32 $0x31600, s1;
	s10 =	sshrl.u32 s8, $0x1  }
0xa: {  	s9 =	sor.u32 s9, s6;
	s8 =	ssub.s32 s8, s10;
	s6 =	smul.u32 $0x27100, s3  }
0xb: {  	s17 =	sshrl.u32 s9, $0x3;
	s26 =	smax.u32 s8, $0x1;
	s8 =	simm.s32 $0x2  }
0xc: {  	s9 =	sadd.s32 s0, s17;
	s18 =	sadd.s32 s7, s17;
	[dreg:$0xd] =	wrdreg s26  }
0xd: {  	s19 =	sor.u32 $0x10, s17;
	s21 =	sor.u32 $0x20, s17;
	[dreg:$0x3] =	wrdreg s9  }
0xe: {  	s3 =	sor.u32 $0x30, s17;
	[dreg:$0x4] =	wrdreg s18;
	s20 =	sadd.s32 s0, s19  }
0xf: {  	s23 =	sshrl.u32 s6, $0x3;
	s9 =	sadd.s32 s7, s19;
	[dreg:$0x5] =	wrdreg s20  }
0x10: {  	s17 =	sadd.s32 s6, s24;
	s22 =	sadd.s32 s0, s21;
	[dreg:$0x6] =	wrdreg s9  }
0x11: {  	s24 =	simm.s32 $0x2780;
	s0 =	sadd.s32 s0, s3;
	[dreg:$0x7] =	wrdreg s22  }
0x12: {  	s26 =	simm.s32 $0x4F00;
	s3 =	sadd.s32 s7, s3;
	[dreg:$0x9] =	wrdreg s0  }
0x13: {  	s25 =	sadd.s32 s1, s23;
	s18 =	sadd.s32 $0x1F40, s6;
	[dreg:$0xa] =	wrdreg s3  }
0x14: {  	s9 =	sadd.s32 s7, s21;
	[dreg:$0xb] =	wrdreg s25;
	s0 =	sadd.s32 s2, s23  }
0x15: {  	s22 =	simm.s32 $0x5;
	s23 =	simm.s32 $0x9E00;
	s25 =	simm.s32 $0xC580  }
0x16: {  	s3 =	simm.s32 $0x14C00;
	s7 =	simm.s32 $0x17C00;
	[dreg:$0x8] =	wrdreg s9  }
0x17: {  	[dreg:$0xc] =	wrdreg s0;
	s0 =	simm.s32 $0x1;
	s9 =	simm.s32 $0x18C00  }
.LBB2_1:
0x18: {  	s10 =	rddreg [dreg:$0x3];
	s13 =	simm.s32 $0x80;
	s14 =	simm.s32 $0x400  }
0x19: {  	[tilespmem:s4], [sflag:$0x5] =	stream.strided.gather [hbm4b:s10+s13], $0x2780, s14, s13, $0x38;
	[tilespmem:$0x19C00] =	vst v63  }
0x1a: {  	_ =	swait.ge [sflag:s22], $0x2780  }
0x1b: {  	[sflag:s22] =	ssyncset.done $0x0  }
0x1c: {  	s21 =	rddreg [dreg:$0x4];
	[sflag:s22] =	ssyncadd.s32 $0xFFFFD880  }
0x1d: {  	[tilespmem:s23], [sflag:$0x5] =	stream.strided.gather [hbm4b:s21+s13], $0x2780, s14, s13, $0x38;
	[tilespmem:$0x19C00] =	vst v63  }
0x1e: {  	_ =	swait.ge [sflag:s22], $0x2780  }
0x1f: {  	[sflag:s22] =	ssyncset.done $0x0  }
0x20: {  	s15 =	rddreg [dreg:$0x5];
	[sflag:s22] =	ssyncadd.s32 $0xFFFFD880  }
0x21: {  	[tilespmem:s24], [sflag:$0x5] =	stream.strided.gather [hbm4b:s15+s13], $0x2780, s14, s13, $0x38;
	[tilespmem:$0x19C00] =	vst v63  }
0x22: {  	_ =	swait.ge [sflag:s22], $0x2780  }
0x23: {  	[sflag:s22] =	ssyncset.done $0x0  }
0x24: {  	s16 =	rddreg [dreg:$0x6];
	[sflag:s22] =	ssyncadd.s32 $0xFFFFD880  }
0x25: {  	[tilespmem:s25], [sflag:$0x5] =	stream.strided.gather [hbm4b:s16+s13], $0x2780, s14, s13, $0x38;
	[tilespmem:$0x19C00] =	vst v63  }
0x26: {  	_ =	swait.ge [sflag:s22], $0x2780  }
0x27: {  	[sflag:s22] =	ssyncset.done $0x0  }
0x28: {  	s19 =	rddreg [dreg:$0x7];
	[sflag:s22] =	ssyncadd.s32 $0xFFFFD880  }
0x29: {  	[tilespmem:s26], [sflag:$0x5] =	stream.strided.gather [hbm4b:s19+s13], $0x2780, s14, s13, $0x38;
	[tilespmem:$0x19C00] =	vst v63  }
0x2a: {  	_ =	swait.ge [sflag:s22], $0x2780  }
0x2b: {  	[sflag:s22] =	ssyncset.done $0x0  }
0x2c: {  	s20 =	rddreg [dreg:$0x8];
	[sflag:s22] =	ssyncadd.s32 $0xFFFFD880  }
0x2d: {  	[tilespmem:s28], [sflag:$0x5] =	stream.strided.gather [hbm4b:s20+s13], $0x2780, s14, s13, $0x38;
	[tilespmem:$0x19C00] =	vst v63  }
0x2e: {  	_ =	swait.ge [sflag:s22], $0x2780  }
0x2f: {  	[sflag:s22] =	ssyncset.done $0x0  }
0x30: {  	s21 =	rddreg [dreg:$0x9];
	[sflag:s22] =	ssyncadd.s32 $0xFFFFD880  }
0x31: {  	[tilespmem:s29], [sflag:$0x5] =	stream.strided.gather [hbm4b:s21+s13], $0x2780, s14, s13, $0x38;
	[tilespmem:$0x19C00] =	vst v63  }
0x32: {  	_ =	swait.ge [sflag:s22], $0x2780  }
0x33: {  	[sflag:s22] =	ssyncset.done $0x0  }
0x34: {  	s15 =	rddreg [dreg:$0xa];
	[sflag:s22] =	ssyncadd.s32 $0xFFFFD880  }
0x35: {  	[tilespmem:s30], [sflag:$0x5] =	stream.strided.gather [hbm4b:s15+s13], $0x2780, s14, s13, $0x38;
	[tilespmem:$0x19C00] =	vst v63  }
0x36: {  	_ =	swait.ge [sflag:s22], $0x2780  }
0x37: {  	[sflag:s22] =	ssyncset.done $0x0  }
0x38: {  	s19 =	simm.s32 $0x13C00;
	s16 =	rddreg [dreg:$0xb];
	[sflag:s22] =	ssyncadd.s32 $0xFFFFD880  }
0x39: {  	[tilespmem:s19], [sflag:$0x1] =	stream.linear.gather [hbm4b:s16+s4], $0xFA0, $0x38;
	[tilespmem:$0x19C00] =	vst v63  }
0x3a: {  	s21 =	simm.s32 $0x15C00;
	s13 =	simm.s32 $0x0;
	s20 =	rddreg [dreg:$0xc]  }
0x3b: {  	[tilespmem:s21], [sflag:$0x1] =	stream.linear.gather [hbm4b:s20+s4], $0xFA0, $0x38;
	[tilespmem:$0x19C00] =	vst v63  }
.LBB2_2:
0x3c: {  	s15 =	smul.u32 $0x1F40, s13;
	_ =	sdelay $0x1  }
0x3d: {  	s14 =	sadd.s32 $0xFA0, s15  }
0x3e: {  	s10 =	sadd.s32 s6, s14  }
0x3f: {  	s10 =	sshrl.u32 s10, $0x3  }
0x40: {  	s16 =	sadd.s32 s1, s10  }
0x41: {  	[tilespmem:s3], [sflag:$0x2] =	stream.linear.gather [hbm4b:s16+s4], $0xFA0, $0x38;
	[tilespmem:$0x19C00] =	vst v63  }
0x42: {  	p0 =	seq.s32 s13, $0x0;
	s10 =	sadd.s32 s2, s10  }
0x43: {  	[tilespmem:s31], [sflag:$0x2] =	stream.linear.gather [hbm4b:s10+s4], $0xFA0, $0x38;
	[tilespmem:$0x19C00] =	vst v63  }
0x44: {  	s10 =	simm.s32 @!p0 $0x3  }
0x45: {  	_ =	swait.ge @!p0 [sflag:s10], $0xFA0  }
0x46: {  	[sflag:s10] =	ssyncset.done @!p0 $0x0  }
0x47: {  	[sflag:s10] =	ssyncadd.s32 @!p0 $0xFFFFF060  }
0x48: {  	_ =	swait.ge [sflag:s0], $0xFA0  }
0x49: {  	[sflag:s0] =	ssyncset.done $0x0  }
0x4a: {  	[sflag:s0] =	ssyncadd.s32 $0xFFFFF060  }
0x4b: {  	_ =	swait.ge [sflag:s0], $0xFA0  }
0x4c: {  	[sflag:s0] =	ssyncset.done $0x0  }
0x4d: {  	s21 =	simm.s32 $0x13C40;
	[sflag:s0] =	ssyncadd.s32 $0xFFFFF060  }
0x4e: {  	s19 =	simm.s32 $0x15C40;
	v0 =	vld [tilespmem:s21+$0x30]  }
0x4f: {  	v1 =	vld [tilespmem:s19+$0x30]  }
0x50: {  	v12 =	vld [tilespmem:s19+$0xFFFFFFC0]  }
0x51: {  	v11 =	vld [tilespmem:s21+$0xFFFFFFD0]  }
0x52: {  	v10 =	vld [tilespmem:s19+$0xFFFFFFD0]  }
0x53: {  	v8 =	vld [tilespmem:s21+$0xFFFFFFE0]  }
0x54: {  	v6 =	vld [tilespmem:s19+$0xFFFFFFE0]  }
0x55: {  	v5 =	vld [tilespmem:s21+$0xFFFFFFF0]  }
0x56: {  	v9 =	vld [tilespmem:s19+$0xFFFFFFF0]  }
0x57: {  	v7 =	vld [tilespmem:s21+$0x0]  }
0x58: {  	v4 =	vld [tilespmem:s19+$0x0]  }
0x59: {  	v3 =	vld [tilespmem:s21+$0x10]  }
0x5a: {  	v2 =	vld [tilespmem:s19+$0x10]  }
0x5b: {  	s16 =	simm.s32 $0x0;
	v14 =	vld [tilespmem:s21+$0xFFFFFFC0]  }
0x5c: {  	v13 =	vld.idx.msk [tilespmem:v0+s16+$0x0], $0xffff  }
0x5d: {  	v15 =	vld.idx.msk [tilespmem:v1+s23+$0x0], $0xffff  }
0x5e: {  	v16 =	vld.idx.msk [tilespmem:v0+s24+$0x0], $0xffff  }
0x5f: {  	v17 =	vld.idx.msk [tilespmem:v1+s25+$0x0], $0xffff  }
0x60: {  	v18 =	vld.idx.msk [tilespmem:v0+s26+$0x0], $0xffff  }
0x61: {  	v19 =	vld.idx.msk [tilespmem:v1+s28+$0x0], $0xffff  }
0x62: {  	v20 =	vld.idx.msk [tilespmem:v0+s29+$0x0], $0xffff  }
0x63: {  	v21 =	vld.idx.msk [tilespmem:v1+s30+$0x0], $0xffff  }
0x64: {  	v1 =	vld [tilespmem:s21+$0x20]  }
0x65: {  	v0 =	vld [tilespmem:s19+$0x20]  }
0x66: {  	v22 =	vld.idx.msk [tilespmem:v12+s23+$0x0], $0xffff  }
0x67: {  	v23 =	vld.idx.msk [tilespmem:v11+s16+$0x0], $0xffff  }
0x68: {  	v24 =	vld.idx.msk [tilespmem:v10+s23+$0x0], $0xffff  }
0x69: {  	v27 =	vld.idx.msk [tilespmem:v5+s16+$0x0], $0xffff  }
0x6a: {  	v28 =	vld.idx.msk [tilespmem:v14+s16+$0x0], $0xffff  }
0x6b: {  	v30 =	vld.idx.msk [tilespmem:v4+s23+$0x0], $0xffff  }
0x6c: {  	v58 =	vld.idx.msk [tilespmem:v2+s23+$0x0], $0xffff  }
0x6d: {  	v63 =	vld.idx.msk [tilespmem:v5+s24+$0x0], $0xffff  }
0x6e: {  	v45 =	vld.idx.msk [tilespmem:v9+s25+$0x0], $0xffff  }
0x6f: {  	v36 =	vld.idx.msk [tilespmem:v7+s24+$0x0], $0xffff  }
0x70: {  	v46 =	vld.idx.msk [tilespmem:v4+s25+$0x0], $0xffff  }
0x71: {  	v48 =	vld.idx.msk [tilespmem:v11+s26+$0x0], $0xffff;
	v13 =	vmul.bf16 v15, v13  }
0x72: {  	v15 =	vld.idx.msk [tilespmem:v9+s23+$0x0], $0xffff;
	v16 =	vmul.bf16 v17, v16;
	v18 =	vmul.bf16 v19, v18  }
0x73: {  	v17 =	vld.idx.msk [tilespmem:v7+s16+$0x0], $0xffff;
	v20 =	vmul.bf16 v21, v20;
	v22 =	vmul.bf16 v22, v28;
	v29 =	vunpack.i.u.bf16.f32 v13  }
0x74: {  	v19 =	vld.idx.msk [tilespmem:v3+s16+$0x0], $0xffff;
	v13 =	vunpack.i.l.bf16.f32 v13;
	v31 =	vunpack.i.u.bf16.f32 v16;
	v16 =	vunpack.i.l.bf16.f32 v16  }
0x75: {  	v50 =	vld.idx.msk [tilespmem:v10+s28+$0x0], $0xffff;
	v59 =	vunpack.i.u.bf16.f32 v18;
	v18 =	vunpack.i.l.bf16.f32 v18;
	v60 =	vunpack.i.u.bf16.f32 v20  }
0x76: {  	v25 =	vld.idx.msk [tilespmem:v8+s16+$0x0], $0xffff;
	v20 =	vunpack.i.l.bf16.f32 v20;
	v35 =	vunpack.i.l.bf16.f32 v22;
	v13 =	vadd.f32 $0.0e+00, v13  }
0x77: {  	v26 =	vld.idx.msk [tilespmem:v6+s23+$0x0], $0xffff;
	v22 =	vunpack.i.u.bf16.f32 v22;
	v29 =	vadd.f32 $0.0e+00, v29;
	v35 =	vadd.f32 $0.0e+00, v35  }
0x78: {  	v32 =	vld.idx.msk [tilespmem:v14+s24+$0x0], $0xffff;
	v13 =	vadd.f32 v16, v13;
	v15 =	vmul.bf16 v15, v27;
	v17 =	vmul.bf16 v30, v17  }
0x79: {  	v33 =	vld.idx.msk [tilespmem:v8+s24+$0x0], $0xffff;
	v16 =	vadd.f32 v31, v29;
	v19 =	vmul.bf16 v58, v19;
	v30 =	vmul.bf16 v45, v63  }
0x7a: {  	v38 =	vld.idx.msk [tilespmem:v3+s24+$0x0], $0xffff;
	v22 =	vadd.f32 $0.0e+00, v22;
	v29 =	vmul.bf16 v46, v36;
	v31 =	vmul.bf16 v50, v48  }
0x7b: {  	v54 =	vld.idx.msk [tilespmem:v7+s26+$0x0], $0xffff;
	v13 =	vadd.f32 v18, v13;
	v16 =	vadd.f32 v59, v16;
	v34 =	vunpack.i.u.bf16.f32 v15  }
0x7c: {  	v55 =	vld.idx.msk [tilespmem:v4+s28+$0x0], $0xffff;
	v15 =	vunpack.i.l.bf16.f32 v15;
	v37 =	vunpack.i.u.bf16.f32 v17;
	v17 =	vunpack.i.l.bf16.f32 v17  }
0x7d: {  	v21 =	vld.idx.msk [tilespmem:v1+s16+$0x0], $0xffff;
	v39 =	vunpack.i.u.bf16.f32 v19;
	v19 =	vunpack.i.l.bf16.f32 v19;
	v51 =	vunpack.i.u.bf16.f32 v30  }
0x7e: {  	v27 =	vld.idx.msk [tilespmem:v6+s25+$0x0], $0xffff;
	v30 =	vunpack.i.l.bf16.f32 v30;
	v15 =	vadd.f32 $0.0e+00, v15;
	v34 =	vadd.f32 $0.0e+00, v34  }
0x7f: {  	v47 =	vld.idx.msk [tilespmem:v1+s24+$0x0], $0xffff;
	v53 =	vunpack.i.u.bf16.f32 v29;
	v17 =	vadd.f32 $0.0e+00, v17;
	v37 =	vadd.f32 $0.0e+00, v37  }
0x80: {  	v18 =	vld.idx.msk [tilespmem:v0+s23+$0x0], $0xffff;
	v29 =	vunpack.i.l.bf16.f32 v29;
	v19 =	vadd.f32 $0.0e+00, v19;
	v39 =	vadd.f32 $0.0e+00, v39  }
0x81: {  	v13 =	vadd.f32 v20, v13;
	v16 =	vadd.f32 v60, v16;
	v20 =	vmul.bf16 v24, v23;
	v23 =	vld.idx.msk [tilespmem:v12+s25+$0x0], $0xffff  }
0x82: {  	v24 =	vmul.bf16 v26, v25;
	v25 =	vld.idx.msk [tilespmem:v11+s24+$0x0], $0xffff;
	v60 =	vmul.bf16 v55, v54;
	v30 =	vadd.f32 v30, v15  }
0x83: {  	v26 =	vld.idx.msk [tilespmem:v10+s25+$0x0], $0xffff;
	v27 =	vmul.bf16 v27, v33;
	v34 =	vadd.f32 v51, v34;
	v29 =	vadd.f32 v29, v17  }
0x84: {  	v41 =	vld.idx.msk [tilespmem:v0+s25+$0x0], $0xffff;
	v36 =	vadd.f32 v53, v37;
	v13 =	vadd.f32 v13, v16;
	v16 =	vunpack.i.u.bf16.f32 v20  }
0x85: {  	v43 =	vld.idx.msk [tilespmem:v12+s28+$0x0], $0xffff;
	v20 =	vunpack.i.l.bf16.f32 v20;
	v61 =	vunpack.i.u.bf16.f32 v24;
	v24 =	vunpack.i.l.bf16.f32 v24  }
0x86: {  	v52 =	vld.idx.msk [tilespmem:v5+s26+$0x0], $0xffff;
	v20 =	vadd.f32 $0.0e+00, v20;
	v16 =	vadd.f32 $0.0e+00, v16;
	v18 =	vmul.bf16 v18, v21  }
0x87: {  	v15 =	vld.idx.msk [tilespmem:v9+s28+$0x0], $0xffff;
	v24 =	vadd.f32 $0.0e+00, v24;
	v62 =	vadd.f32 $0.0e+00, v61;
	v23 =	vmul.bf16 v23, v32  }
0x88: {  	v21 =	vld.idx.msk [tilespmem:v2+s25+$0x0], $0xffff;
	v40 =	vunpack.i.u.bf16.f32 v18;
	v18 =	vunpack.i.l.bf16.f32 v18;
	v25 =	vmul.bf16 v26, v25  }
0x89: {  	v58 =	vld.idx.msk [tilespmem:v1+s26+$0x0], $0xffff;
	v32 =	vmul.bf16 v41, v47;
	v18 =	vadd.f32 $0.0e+00, v18;
	v40 =	vadd.f32 $0.0e+00, v40  }
0x8a: {  	v26 =	vld.idx.msk [tilespmem:v14+s26+$0x0], $0xffff;
	v42 =	vunpack.i.u.bf16.f32 v23;
	v23 =	vunpack.i.l.bf16.f32 v23;
	v49 =	vunpack.i.u.bf16.f32 v25  }
0x8b: {  	v59 =	vld.idx.msk [tilespmem:v11+s29+$0x0], $0xffff;
	v25 =	vunpack.i.l.bf16.f32 v25;
	v23 =	vadd.f32 v23, v35;
	v22 =	vadd.f32 v42, v22  }
0x8c: {  	v15 =	vmul.bf16 v15, v52;
	v20 =	vadd.f32 v25, v20;
	v35 =	vadd.f32 v49, v16;
	v16 =	vld.idx.msk [tilespmem:v8+s26+$0x0], $0xffff  }
0x8d: {  	v25 =	vunpack.i.l.bf16.f32 v27;
	v27 =	vunpack.i.u.bf16.f32 v27;
	v21 =	vmul.bf16 v21, v38;
	v8 =	vld.idx.msk [tilespmem:v8+s29+$0x0], $0xffff  }
0x8e: {  	v11 =	vunpack.i.u.bf16.f32 v15;
	v24 =	vadd.f32 v25, v24;
	v25 =	vld.idx.msk [tilespmem:v6+s28+$0x0], $0xffff;
	v27 =	vadd.f32 v27, v62  }
0x8f: {  	v6 =	vld.idx.msk [tilespmem:v6+s30+$0x0], $0xffff;
	v17 =	vunpack.i.l.bf16.f32 v21;
	v21 =	vunpack.i.u.bf16.f32 v21;
	v26 =	vmul.bf16 v43, v26  }
0x90: {  	v56 =	vadd.f32 v17, v19;
	v19 =	vld.idx.msk [tilespmem:v3+s26+$0x0], $0xffff;
	v17 =	vunpack.i.u.bf16.f32 v32;
	v32 =	vunpack.i.l.bf16.f32 v32  }
0x91: {  	v39 =	vadd.f32 v21, v39;
	v21 =	vld.idx.msk [tilespmem:v2+s28+$0x0], $0xffff;
	v32 =	vadd.f32 v32, v18;
	v18 =	vunpack.i.l.bf16.f32 v26  }
0x92: {  	v12 =	vld.idx.msk [tilespmem:v12+s30+$0x0], $0xffff;
	v57 =	vadd.f32 v17, v40;
	v17 =	vunpack.i.u.bf16.f32 v26;
	v26 =	vadd.f32 v18, v23  }
0x93: {  	v10 =	vld.idx.msk [tilespmem:v10+s30+$0x0], $0xffff;
	v42 =	vadd.f32 v17, v22;
	v17 =	vunpack.i.u.bf16.f32 v31;
	v16 =	vmul.bf16 v25, v16  }
0x94: {  	v22 =	vld.idx.msk [tilespmem:v14+s29+$0x0], $0xffff;
	v14 =	vunpack.i.l.bf16.f32 v31;
	v17 =	vadd.f32 v17, v35;
	v63 =	vmul.bf16 v6, v8  }
0x95: {  	v25 =	vld.idx.msk [tilespmem:v0+s28+$0x0], $0xffff;
	v18 =	vunpack.i.u.bf16.f32 v16;
	v23 =	vunpack.i.l.bf16.f32 v16;
	v16 =	vadd.f32 v14, v20  }
0x96: {  	s10 =	simm.s32 $0x17C40;
	v20 =	vunpack.i.l.bf16.f32 v15;
	v21 =	vmul.bf16 v21, v19;
	v19 =	vadd.f32 v11, v34  }
0x97: {  	[tilespmem:s10+$0x30] =	vst v13;
	v8 =	vld.idx.msk [tilespmem:v1+s29+$0x0], $0xffff;
	v1 =	vunpack.i.u.bf16.f32 v63;
	v13 =	vunpack.i.l.bf16.f32 v63;
	v14 =	vadd.f32 v23, v24  }
0x98: {  	v15 =	vadd.f32 v18, v27;
	v23 =	vunpack.i.u.bf16.f32 v60;
	v24 =	vunpack.i.l.bf16.f32 v60;
	v27 =	vld.idx.msk [tilespmem:v5+s29+$0x0], $0xffff  }
0x99: {  	v18 =	vadd.f32 v20, v30;
	v5 =	vld.idx.msk [tilespmem:v7+s29+$0x0], $0xffff;
	v7 =	vmul.bf16 v10, v59;
	v61 =	vunpack.i.l.bf16.f32 v21  }
0x9a: {  	v9 =	vld.idx.msk [tilespmem:v9+s30+$0x0], $0xffff;
	v20 =	vadd.f32 v23, v36;
	v23 =	vmul.bf16 v12, v22;
	v25 =	vmul.bf16 v25, v58  }
0x9b: {  	v11 =	vunpack.i.u.bf16.f32 v21;
	v21 =	vadd.f32 v24, v29;
	v22 =	vadd.f32 v61, v56  }
0x9c: {  	v4 =	vld.idx.msk [tilespmem:v4+s30+$0x0], $0xffff;
	v11 =	vadd.f32 v11, v39;
	v62 =	vunpack.i.l.bf16.f32 v23;
	v24 =	vunpack.i.u.bf16.f32 v25  }
0x9d: {  	v3 =	vld.idx.msk [tilespmem:v3+s29+$0x0], $0xffff;
	v12 =	vunpack.i.l.bf16.f32 v25;
	v25 =	vunpack.i.u.bf16.f32 v23;
	v6 =	vadd.f32 v62, v26  }
0x9e: {  	v2 =	vld.idx.msk [tilespmem:v2+s30+$0x0], $0xffff;
	v23 =	vunpack.i.u.bf16.f32 v7;
	v12 =	vadd.f32 v12, v32;
	v10 =	vadd.f32 v24, v57  }
0x9f: {  	s20 =	simm.s32 $0x0;
	s21 =	simm.s32 $0x13CC0;
	v24 =	vunpack.i.l.bf16.f32 v7;
	v7 =	vadd.f32 v25, v42;
	v25 =	vmul.bf16 v9, v27;
	v9 =	vld.idx.msk [tilespmem:v0+s30+$0x0], $0xffff  }
.LBB2_3:
0xa0: {  	v26 =	vld [tilespmem:s21+$0x30];
	v16 =	vadd.f32 v24, v16;
	v17 =	vadd.f32 v23, v17;
	s19 =	sadd.s32 $0x80, s19  }
0xa1: {  	s20 =	sadd.s32 $0x8, s20;
	v4 =	vmul.bf16 v4, v5;
	v23 =	vld [tilespmem:s19+$0x30];
	v24 =	vunpack.i.u.bf16.f32 v25;
	v25 =	vunpack.i.l.bf16.f32 v25  }
0xa2: {  	v13 =	vadd.f32 v13, v14;
	v14 =	vadd.f32 v1, v15;
	p0 =	slt.u32 s20, $0xF0;
	v0 =	vld [tilespmem:s19+$0xFFFFFFC0]  }
0xa3: {  	v15 =	vunpack.i.u.bf16.f32 v4;
	v27 =	vunpack.i.l.bf16.f32 v4;
	v3 =	vmul.bf16 v2, v3;
	v1 =	vld [tilespmem:s21+$0xFFFFFFD0]  }
0xa4: {  	v18 =	vadd.f32 v25, v18;
	v19 =	vadd.f32 v24, v19;
	v4 =	vld [tilespmem:s19+$0xFFFFFFD0]  }
0xa5: {  	v24 =	vunpack.i.u.bf16.f32 v3;
	v25 =	vunpack.i.l.bf16.f32 v3;
	v8 =	vmul.bf16 v9, v8;
	v2 =	vld [tilespmem:s21+$0xFFFFFFE0]  }
0xa6: {  	v15 =	vadd.f32 v15, v20;
	v9 =	vadd.f32 v27, v21;
	v5 =	vld [tilespmem:s19+$0xFFFFFFE0]  }
0xa7: {  	v20 =	vadd.f32 v25, v22;
	v21 =	vunpack.i.u.bf16.f32 v8;
	v8 =	vunpack.i.l.bf16.f32 v8;
	v3 =	vld [tilespmem:s21+$0xFFFFFFF0]  }
0xa8: {  	v11 =	vadd.f32 v24, v11;
	v8 =	vadd.f32 v8, v12;
	v22 =	vld.idx.msk [tilespmem:v26+s16+$0x0], $0xffff  }
0xa9: {  	v6 =	vadd.f32 v6, v7;
	v7 =	vadd.f32 v21, v10;
	v12 =	vld.idx.msk [tilespmem:v23+s23+$0x0], $0xffff  }
0xaa: {  	v13 =	vadd.f32 v13, v14;
	v10 =	vadd.f32 v16, v17;
	v21 =	vld.idx.msk [tilespmem:v26+s24+$0x0], $0xffff  }
0xab: {  	v9 =	vadd.f32 v9, v15;
	v14 =	vld.idx.msk [tilespmem:v23+s25+$0x0], $0xffff;
	[tilespmem:s10+$0xFFFFFFC0] =	vst v6;
	v6 =	vadd.f32 v18, v19  }
0xac: {  	v7 =	vadd.f32 v8, v7;
	v15 =	vld.idx.msk [tilespmem:v26+s26+$0x0], $0xffff;
	[tilespmem:s10+$0xFFFFFFD0] =	vst v10;
	v10 =	vadd.f32 v20, v11  }
0xad: {  	v8 =	vld.idx.msk [tilespmem:v23+s28+$0x0], $0xffff;
	[tilespmem:s10+$0xFFFFFFE0] =	vst v13  }
0xae: {  	v13 =	vld.idx.msk [tilespmem:v26+s29+$0x0], $0xffff;
	[tilespmem:s10+$0xFFFFFFF0] =	vst v6  }
0xaf: {  	v6 =	vmul.bf16 v12, v22;
	v16 =	vld.idx.msk [tilespmem:v23+s30+$0x0], $0xffff;
	[tilespmem:s10+$0x0] =	vst v9  }
0xb0: {  	v11 =	vld [tilespmem:s19+$0xFFFFFFF0];
	[tilespmem:s10+$0x10] =	vst v10  }
0xb1: {  	v9 =	vunpack.i.u.bf16.f32 v6;
	v6 =	vunpack.i.l.bf16.f32 v6;
	v14 =	vmul.bf16 v14, v21;
	v10 =	vld [tilespmem:s21+$0x0];
	[tilespmem:s10+$0x20] =	vst v7  }
0xb2: {  	v17 =	vadd.f32 $0.0e+00, v6;
	v9 =	vadd.f32 $0.0e+00, v9;
	v12 =	vld [tilespmem:s19+$0x0]  }
0xb3: {  	v18 =	vunpack.i.u.bf16.f32 v14;
	v14 =	vunpack.i.l.bf16.f32 v14;
	v15 =	vmul.bf16 v8, v15;
	v6 =	vld [tilespmem:s21+$0x10]  }
0xb4: {  	v14 =	vadd.f32 v14, v17;
	v17 =	vadd.f32 v18, v9;
	v7 =	vld [tilespmem:s19+$0x10]  }
0xb5: {  	v18 =	vunpack.i.u.bf16.f32 v15;
	v15 =	vunpack.i.l.bf16.f32 v15;
	v16 =	vmul.bf16 v16, v13;
	v8 =	vld [tilespmem:s21+$0x20]  }
0xb6: {  	v14 =	vadd.f32 v15, v14;
	v15 =	vadd.f32 v18, v17;
	v9 =	vld [tilespmem:s19+$0x20]  }
0xb7: {  	v17 =	vunpack.i.u.bf16.f32 v16;
	v16 =	vunpack.i.l.bf16.f32 v16;
	v13 =	vld [tilespmem:s21+$0xFFFFFFC0]  }
0xb8: {  	v14 =	vadd.f32 v16, v14;
	v15 =	vadd.f32 v17, v15;
	v18 =	vld.idx.msk [tilespmem:v0+s23+$0x0], $0xffff  }
0xb9: {  	v16 =	vld.idx.msk [tilespmem:v1+s16+$0x0], $0xffff  }
0xba: {  	v14 =	vadd.f32 v14, v15;
	v17 =	vld.idx.msk [tilespmem:v4+s23+$0x0], $0xffff  }
0xbb: {  	s10 =	sadd.s32 $0x80, s10;
	v15 =	vld.idx.msk [tilespmem:v2+s16+$0x0], $0xffff  }
0xbc: {  	v19 =	vld.idx.msk [tilespmem:v5+s23+$0x0], $0xffff;
	[tilespmem:s10+$0x30] =	vst v14  }
0xbd: {  	v14 =	vld.idx.msk [tilespmem:v3+s16+$0x0], $0xffff  }
0xbe: {  	v20 =	vld.idx.msk [tilespmem:v11+s23+$0x0], $0xffff  }
0xbf: {  	v21 =	vld.idx.msk [tilespmem:v13+s16+$0x0], $0xffff  }
0xc0: {  	v16 =	vmul.bf16 v17, v16;
	v17 =	vld.idx.msk [tilespmem:v10+s16+$0x0], $0xffff  }
0xc1: {  	v22 =	vld.idx.msk [tilespmem:v12+s23+$0x0], $0xffff  }
0xc2: {  	v23 =	vunpack.i.u.bf16.f32 v16;
	v16 =	vunpack.i.l.bf16.f32 v16;
	v15 =	vmul.bf16 v19, v15;
	v19 =	vld.idx.msk [tilespmem:v6+s16+$0x0], $0xffff  }
0xc3: {  	v16 =	vadd.f32 $0.0e+00, v16;
	v23 =	vadd.f32 $0.0e+00, v23;
	v24 =	vld.idx.msk [tilespmem:v7+s23+$0x0], $0xffff  }
0xc4: {  	v25 =	vunpack.i.u.bf16.f32 v15;
	v15 =	vunpack.i.l.bf16.f32 v15;
	v14 =	vmul.bf16 v20, v14;
	v20 =	vld.idx.msk [tilespmem:v8+s16+$0x0], $0xffff  }
0xc5: {  	v18 =	vmul.bf16 v18, v21;
	v15 =	vadd.f32 $0.0e+00, v15;
	v21 =	vadd.f32 $0.0e+00, v25;
	v25 =	vld.idx.msk [tilespmem:v9+s23+$0x0], $0xffff  }
0xc6: {  	v27 =	vunpack.i.u.bf16.f32 v14;
	v14 =	vunpack.i.l.bf16.f32 v14;
	v26 =	vld.idx.msk [tilespmem:v13+s24+$0x0], $0xffff  }
0xc7: {  	v28 =	vunpack.i.u.bf16.f32 v18;
	v18 =	vunpack.i.l.bf16.f32 v18;
	v17 =	vmul.bf16 v22, v17;
	v29 =	vld.idx.msk [tilespmem:v0+s25+$0x0], $0xffff  }
0xc8: {  	v18 =	vadd.f32 $0.0e+00, v18;
	v22 =	vadd.f32 $0.0e+00, v28;
	v28 =	vld.idx.msk [tilespmem:v1+s24+$0x0], $0xffff  }
0xc9: {  	v31 =	vunpack.i.u.bf16.f32 v17;
	v17 =	vunpack.i.l.bf16.f32 v17;
	v19 =	vmul.bf16 v24, v19;
	v30 =	vld.idx.msk [tilespmem:v4+s25+$0x0], $0xffff  }
0xca: {  	v14 =	vadd.f32 $0.0e+00, v14;
	v27 =	vadd.f32 $0.0e+00, v27;
	v24 =	vld.idx.msk [tilespmem:v2+s24+$0x0], $0xffff  }
0xcb: {  	v33 =	vunpack.i.u.bf16.f32 v19;
	v19 =	vunpack.i.l.bf16.f32 v19;
	v20 =	vmul.bf16 v25, v20;
	v32 =	vld.idx.msk [tilespmem:v5+s25+$0x0], $0xffff  }
0xcc: {  	v17 =	vadd.f32 $0.0e+00, v17;
	v31 =	vadd.f32 $0.0e+00, v31;
	v25 =	vld.idx.msk [tilespmem:v3+s24+$0x0], $0xffff  }
0xcd: {  	v26 =	vmul.bf16 v29, v26;
	v34 =	vunpack.i.u.bf16.f32 v20;
	v20 =	vunpack.i.l.bf16.f32 v20;
	v29 =	vld.idx.msk [tilespmem:v11+s25+$0x0], $0xffff  }
0xce: {  	v19 =	vadd.f32 $0.0e+00, v19;
	v33 =	vadd.f32 $0.0e+00, v33;
	v35 =	vld.idx.msk [tilespmem:v10+s24+$0x0], $0xffff  }
0xcf: {  	v20 =	vadd.f32 $0.0e+00, v20;
	v34 =	vadd.f32 $0.0e+00, v34;
	v28 =	vmul.bf16 v30, v28;
	v30 =	vld.idx.msk [tilespmem:v12+s25+$0x0], $0xffff  }
0xd0: {  	v36 =	vunpack.i.u.bf16.f32 v26;
	v26 =	vunpack.i.l.bf16.f32 v26;
	v37 =	vld.idx.msk [tilespmem:v6+s24+$0x0], $0xffff  }
0xd1: {  	v38 =	vunpack.i.u.bf16.f32 v28;
	v28 =	vunpack.i.l.bf16.f32 v28;
	v24 =	vmul.bf16 v32, v24;
	v32 =	vld.idx.msk [tilespmem:v7+s25+$0x0], $0xffff  }
0xd2: {  	v18 =	vadd.f32 v26, v18;
	v22 =	vadd.f32 v36, v22;
	v26 =	vld.idx.msk [tilespmem:v8+s24+$0x0], $0xffff  }
0xd3: {  	v36 =	vunpack.i.u.bf16.f32 v24;
	v24 =	vunpack.i.l.bf16.f32 v24;
	v25 =	vmul.bf16 v29, v25;
	v29 =	vld.idx.msk [tilespmem:v9+s25+$0x0], $0xffff  }
0xd4: {  	v16 =	vadd.f32 v28, v16;
	v23 =	vadd.f32 v38, v23;
	v39 =	vld.idx.msk [tilespmem:v13+s26+$0x0], $0xffff  }
0xd5: {  	v38 =	vunpack.i.u.bf16.f32 v25;
	v25 =	vunpack.i.l.bf16.f32 v25;
	v30 =	vmul.bf16 v30, v35;
	v28 =	vld.idx.msk [tilespmem:v0+s28+$0x0], $0xffff  }
0xd6: {  	v15 =	vadd.f32 v24, v15;
	v21 =	vadd.f32 v36, v21;
	v35 =	vld.idx.msk [tilespmem:v1+s26+$0x0], $0xffff  }
0xd7: {  	v36 =	vunpack.i.u.bf16.f32 v30;
	v30 =	vunpack.i.l.bf16.f32 v30;
	v32 =	vmul.bf16 v32, v37;
	v24 =	vld.idx.msk [tilespmem:v4+s28+$0x0], $0xffff  }
0xd8: {  	v25 =	vadd.f32 v25, v14;
	v27 =	vadd.f32 v38, v27;
	v37 =	vld.idx.msk [tilespmem:v2+s26+$0x0], $0xffff  }
0xd9: {  	v38 =	vunpack.i.u.bf16.f32 v32;
	v32 =	vunpack.i.l.bf16.f32 v32;
	v26 =	vmul.bf16 v29, v26;
	v14 =	vld.idx.msk [tilespmem:v5+s28+$0x0], $0xffff  }
0xda: {  	v30 =	vadd.f32 v30, v17;
	v31 =	vadd.f32 v36, v31;
	v29 =	vld.idx.msk [tilespmem:v3+s26+$0x0], $0xffff  }
0xdb: {  	v17 =	vmul.bf16 v28, v39;
	v36 =	vunpack.i.u.bf16.f32 v26;
	v26 =	vunpack.i.l.bf16.f32 v26;
	v28 =	vld.idx.msk [tilespmem:v11+s28+$0x0], $0xffff  }
0xdc: {  	v32 =	vadd.f32 v32, v19;
	v33 =	vadd.f32 v38, v33;
	v39 =	vld.idx.msk [tilespmem:v10+s26+$0x0], $0xffff  }
0xdd: {  	v26 =	vadd.f32 v26, v20;
	v34 =	vadd.f32 v36, v34;
	v19 =	vmul.bf16 v24, v35;
	v24 =	vld.idx.msk [tilespmem:v12+s28+$0x0], $0xffff  }
0xde: {  	v20 =	vunpack.i.u.bf16.f32 v17;
	v17 =	vunpack.i.l.bf16.f32 v17;
	v35 =	vld.idx.msk [tilespmem:v6+s26+$0x0], $0xffff  }
0xdf: {  	v36 =	vunpack.i.u.bf16.f32 v19;
	v19 =	vunpack.i.l.bf16.f32 v19;
	v14 =	vmul.bf16 v14, v37;
	v37 =	vld.idx.msk [tilespmem:v7+s28+$0x0], $0xffff  }
0xe0: {  	v38 =	vadd.f32 v17, v18;
	v40 =	vadd.f32 v20, v22;
	v20 =	vld.idx.msk [tilespmem:v8+s26+$0x0], $0xffff  }
0xe1: {  	v18 =	vunpack.i.u.bf16.f32 v14;
	v14 =	vunpack.i.l.bf16.f32 v14;
	v22 =	vmul.bf16 v28, v29;
	v28 =	vld.idx.msk [tilespmem:v9+s28+$0x0], $0xffff  }
0xe2: {  	v16 =	vadd.f32 v19, v16;
	v17 =	vadd.f32 v36, v23;
	v13 =	vld.idx.msk [tilespmem:v13+s29+$0x0], $0xffff  }
0xe3: {  	v19 =	vunpack.i.u.bf16.f32 v22;
	v22 =	vunpack.i.l.bf16.f32 v22;
	v23 =	vmul.bf16 v24, v39;
	v0 =	vld.idx.msk [tilespmem:v0+s30+$0x0], $0xffff  }
0xe4: {  	v14 =	vadd.f32 v14, v15;
	v15 =	vadd.f32 v18, v21;
	v1 =	vld.idx.msk [tilespmem:v1+s29+$0x0], $0xffff  }
0xe5: {  	v24 =	vunpack.i.u.bf16.f32 v23;
	v21 =	vunpack.i.l.bf16.f32 v23;
	v23 =	vmul.bf16 v37, v35;
	v4 =	vld.idx.msk [tilespmem:v4+s30+$0x0], $0xffff  }
0xe6: {  	v18 =	vadd.f32 v22, v25;
	v19 =	vadd.f32 v19, v27;
	v2 =	vld.idx.msk [tilespmem:v2+s29+$0x0], $0xffff  }
0xe7: {  	v27 =	vunpack.i.u.bf16.f32 v23;
	v22 =	vunpack.i.l.bf16.f32 v23;
	v25 =	vld.idx.msk [tilespmem:v5+s30+$0x0], $0xffff;
	v5 =	vmul.bf16 v28, v20  }
0xe8: {  	v21 =	vadd.f32 v21, v30;
	v20 =	vadd.f32 v24, v31;
	v28 =	vld.idx.msk [tilespmem:v3+s29+$0x0], $0xffff  }
0xe9: {  	v0 =	vmul.bf16 v0, v13;
	v29 =	vld.idx.msk [tilespmem:v11+s30+$0x0], $0xffff;
	v3 =	vunpack.i.u.bf16.f32 v5;
	v13 =	vunpack.i.l.bf16.f32 v5  }
0xea: {  	v22 =	vadd.f32 v22, v32;
	v11 =	vadd.f32 v27, v33;
	v5 =	vld.idx.msk [tilespmem:v10+s29+$0x0], $0xffff  }
.Ltmp0:
0xeb: {  	v1 =	vmul.bf16 v4, v1;
	v10 =	vadd.f32 v3, v34;
	v4 =	vld.idx.msk [tilespmem:v12+s30+$0x0], $0xffff;
	v12 =	vadd.f32 v13, v26;
	(pc) =	sbr.rel @p0 .LBB2_3-.Ltmp0, $4  }
0xec: {  	v13 =	vunpack.i.u.bf16.f32 v0;
	v0 =	vunpack.i.l.bf16.f32 v0;
	v3 =	vld.idx.msk [tilespmem:v6+s29+$0x0], $0xffff  }
0xed: {  	v23 =	vunpack.i.u.bf16.f32 v1;
	v24 =	vunpack.i.l.bf16.f32 v1;
	v25 =	vmul.bf16 v25, v2;
	v2 =	vld.idx.msk [tilespmem:v7+s30+$0x0], $0xffff  }
0xee: {  	v6 =	vadd.f32 v0, v38;
	v7 =	vadd.f32 v13, v40;
	v8 =	vld.idx.msk [tilespmem:v8+s29+$0x0], $0xffff  }
0xef: {  	s21 =	sadd.s32 $0x80, s21;
	v1 =	vunpack.i.u.bf16.f32 v25;
	v13 =	vunpack.i.l.bf16.f32 v25;
	v25 =	vmul.bf16 v29, v28;
	v9 =	vld.idx.msk [tilespmem:v9+s30+$0x0], $0xffff  }
0xf0: {  	v0 =	vadd.f32 v24, v16  }
0xf1: {  	v50 =	vadd.f32 v23, v17;
	v53 =	vadd.f32 v13, v14  }
0xf2: {  	v4 =	vmul.bf16 v4, v5;
	v1 =	vadd.f32 v1, v15;
	v6 =	vadd.f32 v6, v7  }
0xf3: {  	v51 =	vunpack.i.u.bf16.f32 v25;
	v52 =	vunpack.i.l.bf16.f32 v25;
	v2 =	vmul.bf16 v2, v3  }
0xf4: {  	v54 =	vunpack.i.u.bf16.f32 v4;
	v55 =	vadd.f32 v52, v18;
	v56 =	vadd.f32 v51, v19  }
0xf5: {  	v4 =	vunpack.i.l.bf16.f32 v4;
	v0 =	vadd.f32 v0, v50;
	v1 =	vadd.f32 v53, v1  }
0xf6: {  	v4 =	vadd.f32 v4, v21;
	v3 =	vadd.f32 v54, v20;
	v57 =	vunpack.i.l.bf16.f32 v2  }
0xf7: {  	v8 =	vmul.bf16 v9, v8;
	v2 =	vunpack.i.u.bf16.f32 v2;
	v61 =	vadd.f32 v55, v56  }
0xf8: {  	[tilespmem:s10+$0xFFFFFFC0] =	vst v6;
	v58 =	vadd.f32 v57, v22;
	v2 =	vadd.f32 v2, v11  }
0xf9: {  	[tilespmem:s10+$0xFFFFFFD0] =	vst v0;
	v3 =	vadd.f32 v4, v3;
	v9 =	vunpack.i.l.bf16.f32 v8;
	v59 =	vunpack.i.u.bf16.f32 v8  }
0xfa: {  	[tilespmem:s10+$0xFFFFFFE0] =	vst v1;
	v60 =	vadd.f32 v9, v12;
	v62 =	vadd.f32 v59, v10  }
0xfb: {  	[tilespmem:s10+$0xFFFFFFF0] =	vst v61;
	v63 =	vadd.f32 v58, v2  }
0xfc: {  	[tilespmem:s10+$0x0] =	vst v3;
	v0 =	vadd.f32 v60, v62  }
0xfd: {  	[tilespmem:s10+$0x10] =	vst v63  }
0xfe: {  	[tilespmem:s10+$0x20] =	vst v0  }
.LBB2_5:
0xff: {  	s10 =	sshra.s32 s16, $0x2  }
0x100: {  	v0 =	vld [tilespmem:s10+$0x14B80]  }
0x101: {  	v1 =	vld [tilespmem:s10+$0x16B80];
	_ =	sdelay $0x6  }
0x102: {  	v2 =	vld.idx.msk [tilespmem:v0+s4+$0x0], $0xffff  }
0x103: {  	v3 =	vld.idx.msk [tilespmem:v1+s23+$0x0], $0xffff  }
0x104: {  	v4 =	vld.idx.msk [tilespmem:v0+s24+$0x0], $0xffff  }
0x105: {  	v5 =	vld.idx.msk [tilespmem:v1+s25+$0x0], $0xffff  }
0x106: {  	v6 =	vld.idx.msk [tilespmem:v0+s26+$0x0], $0xffff  }
0x107: {  	v7 =	vld.idx.msk [tilespmem:v1+s28+$0x0], $0xffff  }
0x108: {  	v0 =	vld.idx.msk [tilespmem:v0+s29+$0x0], $0xffff;
	v2 =	vmul.bf16 v3, v2  }
0x109: {  	v1 =	vld.idx.msk [tilespmem:v1+s30+$0x0], $0xffff  }
0x10a: {  	v54 =	vmul.bf16 v5, v4;
	v55 =	vunpack.i.u.bf16.f32 v2;
	v2 =	vunpack.i.l.bf16.f32 v2  }
0x10b: {  	v2 =	vadd.f32 $0.0e+00, v2;
	v4 =	vadd.f32 $0.0e+00, v55  }
0x10c: {  	v56 =	vmul.bf16 v7, v6;
	v57 =	vunpack.i.u.bf16.f32 v54;
	v3 =	vunpack.i.l.bf16.f32 v54  }
0x10d: {  	v2 =	vadd.f32 v3, v2;
	v58 =	vadd.f32 v57, v4  }
0x10e: {  	v0 =	vmul.bf16 v1, v0;
	v59 =	vunpack.i.u.bf16.f32 v56;
	v5 =	vunpack.i.l.bf16.f32 v56  }
0x10f: {  	v60 =	vadd.f32 v5, v2;
	v61 =	vadd.f32 v59, v58  }
0x110: {  	p0 =	sne.s32 s16, $0x40;
	v62 =	vunpack.i.u.bf16.f32 v0;
	v0 =	vunpack.i.l.bf16.f32 v0  }
.Ltmp1:
0x111: {  	v0 =	vadd.f32 v0, v60;
	v63 =	vadd.f32 v62, v61;
	(pc) =	sbr.rel @p0 .LBB2_5-.Ltmp1, $3  }
0x112: {  	_ = 	snop  }
0x113: {  	v0 =	vadd.f32 v0, v63;
	_ =	sdelay $0x1  }
0x114: {  	s16 =	sadd.s32 $0x40, s16;
	[tilespmem:s10+$0x18B80] =	vst v0  }
0x115: {  	s10 =	sadd.s32 s17, s15  }
0x116: {  	s10 =	sshrl.u32 s10, $0x3  }
0x117: {  	p0 =	seq.s32 s13, $0x13;
	s10 =	sadd.s32 s5, s10  }
0x118: {  	[hbm4b:s10+s4] =	stream.linear.scatter [tilespmem:s7], [sflag:$0x3], $0xFA0, $0x38;
	[tilespmem:$0x19C00] =	vst v63  }
0x119: {  	s10 =	sadd.s32 @!p0 s15, s18  }
0x11a: {  	s10 =	sshrl.u32 @!p0 s10, $0x3  }
0x11b: {  	s16 =	simm.s32 @!p0 $0x0;
	s19 =	simm.s32 @!p0 $0x13C00;
	s15 =	sadd.s32 @!p0 s1, s10  }
0x11c: {  	[tilespmem:s19], [sflag:$0x1] =	stream.linear.gather @!p0 [hbm4b:s15+s16], $0xFA0, $0x38;
	[tilespmem:$0x19C00] =	vst v63  }
0x11d: {  	p1 =	seq.s32 @!p0 s13, $0x0;
	s10 =	sadd.s32 @!p0 s2, s10;
	s15 =	simm.s32 @!p0 $0x15C00  }
0x11e: {  	[tilespmem:s15], [sflag:$0x1] =	stream.linear.gather @!p0 [hbm4b:s10+s16], $0xFA0, $0x38;
	[tilespmem:$0x19C00] =	vst v63  }
0x11f: {  	p0 =	por p0, !p1  }
0x120: {  	_ =	swait.ge @p0 [sflag:s11], $0xFA0  }
0x121: {  	[sflag:s11] =	ssyncset.done @p0 $0x0  }
0x122: {  	[sflag:s11] =	ssyncadd.s32 @p0 $0xFFFFF060  }
0x123: {  	_ =	swait.ge [sflag:s8], $0xFA0  }
0x124: {  	[sflag:s8] =	ssyncset.done $0x0  }
0x125: {  	[sflag:s8] =	ssyncadd.s32 $0xFFFFF060  }
0x126: {  	_ =	swait.ge [sflag:s8], $0xFA0  }
0x127: {  	[sflag:s8] =	ssyncset.done $0x0  }
0x128: {  	s21 =	simm.s32 $0x14C40;
	[sflag:s8] =	ssyncadd.s32 $0xFFFFF060  }
0x129: {  	s16 =	simm.s32 $0x16C40;
	v0 =	vld [tilespmem:s21+$0x30]  }
0x12a: {  	v1 =	vld [tilespmem:s16+$0x30]  }
0x12b: {  	v12 =	vld [tilespmem:s16+$0xFFFFFFC0]  }
0x12c: {  	v11 =	vld [tilespmem:s21+$0xFFFFFFD0]  }
0x12d: {  	v10 =	vld [tilespmem:s16+$0xFFFFFFD0]  }
0x12e: {  	v8 =	vld [tilespmem:s21+$0xFFFFFFE0]  }
0x12f: {  	v6 =	vld [tilespmem:s16+$0xFFFFFFE0]  }
0x130: {  	v5 =	vld [tilespmem:s21+$0xFFFFFFF0]  }
0x131: {  	v9 =	vld [tilespmem:s16+$0xFFFFFFF0]  }
0x132: {  	v7 =	vld [tilespmem:s21+$0x0]  }
0x133: {  	v4 =	vld [tilespmem:s16+$0x0]  }
0x134: {  	v3 =	vld [tilespmem:s21+$0x10]  }
0x135: {  	v2 =	vld [tilespmem:s16+$0x10]  }
0x136: {  	s15 =	simm.s32 $0x0;
	v14 =	vld [tilespmem:s21+$0xFFFFFFC0]  }
0x137: {  	v13 =	vld.idx.msk [tilespmem:v0+s15+$0x0], $0xffff  }
0x138: {  	v15 =	vld.idx.msk [tilespmem:v1+s23+$0x0], $0xffff  }
0x139: {  	v16 =	vld.idx.msk [tilespmem:v0+s24+$0x0], $0xffff  }
0x13a: {  	v17 =	vld.idx.msk [tilespmem:v1+s25+$0x0], $0xffff  }
0x13b: {  	v18 =	vld.idx.msk [tilespmem:v0+s26+$0x0], $0xffff  }
0x13c: {  	v19 =	vld.idx.msk [tilespmem:v1+s28+$0x0], $0xffff  }
0x13d: {  	v20 =	vld.idx.msk [tilespmem:v0+s29+$0x0], $0xffff  }
0x13e: {  	v21 =	vld.idx.msk [tilespmem:v1+s30+$0x0], $0xffff  }
0x13f: {  	v1 =	vld [tilespmem:s21+$0x20]  }
0x140: {  	v0 =	vld [tilespmem:s16+$0x20]  }
0x141: {  	v22 =	vld.idx.msk [tilespmem:v12+s23+$0x0], $0xffff  }
0x142: {  	v23 =	vld.idx.msk [tilespmem:v11+s15+$0x0], $0xffff  }
0x143: {  	v24 =	vld.idx.msk [tilespmem:v10+s23+$0x0], $0xffff  }
0x144: {  	v27 =	vld.idx.msk [tilespmem:v5+s15+$0x0], $0xffff  }
0x145: {  	v28 =	vld.idx.msk [tilespmem:v14+s15+$0x0], $0xffff  }
0x146: {  	v30 =	vld.idx.msk [tilespmem:v4+s23+$0x0], $0xffff  }
0x147: {  	v58 =	vld.idx.msk [tilespmem:v2+s23+$0x0], $0xffff  }
0x148: {  	v63 =	vld.idx.msk [tilespmem:v5+s24+$0x0], $0xffff  }
0x149: {  	v45 =	vld.idx.msk [tilespmem:v9+s25+$0x0], $0xffff  }
0x14a: {  	v36 =	vld.idx.msk [tilespmem:v7+s24+$0x0], $0xffff  }
0x14b: {  	v46 =	vld.idx.msk [tilespmem:v4+s25+$0x0], $0xffff  }
0x14c: {  	v48 =	vld.idx.msk [tilespmem:v11+s26+$0x0], $0xffff;
	v13 =	vmul.bf16 v15, v13  }
0x14d: {  	v15 =	vld.idx.msk [tilespmem:v9+s23+$0x0], $0xffff;
	v16 =	vmul.bf16 v17, v16;
	v18 =	vmul.bf16 v19, v18  }
0x14e: {  	v17 =	vld.idx.msk [tilespmem:v7+s15+$0x0], $0xffff;
	v20 =	vmul.bf16 v21, v20;
	v22 =	vmul.bf16 v22, v28;
	v29 =	vunpack.i.u.bf16.f32 v13  }
0x14f: {  	v19 =	vld.idx.msk [tilespmem:v3+s15+$0x0], $0xffff;
	v13 =	vunpack.i.l.bf16.f32 v13;
	v31 =	vunpack.i.u.bf16.f32 v16;
	v16 =	vunpack.i.l.bf16.f32 v16  }
0x150: {  	v50 =	vld.idx.msk [tilespmem:v10+s28+$0x0], $0xffff;
	v59 =	vunpack.i.u.bf16.f32 v18;
	v18 =	vunpack.i.l.bf16.f32 v18;
	v60 =	vunpack.i.u.bf16.f32 v20  }
0x151: {  	v25 =	vld.idx.msk [tilespmem:v8+s15+$0x0], $0xffff;
	v20 =	vunpack.i.l.bf16.f32 v20;
	v35 =	vunpack.i.l.bf16.f32 v22;
	v13 =	vadd.f32 $0.0e+00, v13  }
0x152: {  	v26 =	vld.idx.msk [tilespmem:v6+s23+$0x0], $0xffff;
	v22 =	vunpack.i.u.bf16.f32 v22;
	v29 =	vadd.f32 $0.0e+00, v29;
	v35 =	vadd.f32 $0.0e+00, v35  }
0x153: {  	v32 =	vld.idx.msk [tilespmem:v14+s24+$0x0], $0xffff;
	v13 =	vadd.f32 v16, v13;
	v15 =	vmul.bf16 v15, v27;
	v17 =	vmul.bf16 v30, v17  }
0x154: {  	v33 =	vld.idx.msk [tilespmem:v8+s24+$0x0], $0xffff;
	v16 =	vadd.f32 v31, v29;
	v19 =	vmul.bf16 v58, v19;
	v30 =	vmul.bf16 v45, v63  }
0x155: {  	v38 =	vld.idx.msk [tilespmem:v3+s24+$0x0], $0xffff;
	v22 =	vadd.f32 $0.0e+00, v22;
	v29 =	vmul.bf16 v46, v36;
	v31 =	vmul.bf16 v50, v48  }
0x156: {  	v54 =	vld.idx.msk [tilespmem:v7+s26+$0x0], $0xffff;
	v13 =	vadd.f32 v18, v13;
	v16 =	vadd.f32 v59, v16;
	v34 =	vunpack.i.u.bf16.f32 v15  }
0x157: {  	v55 =	vld.idx.msk [tilespmem:v4+s28+$0x0], $0xffff;
	v15 =	vunpack.i.l.bf16.f32 v15;
	v37 =	vunpack.i.u.bf16.f32 v17;
	v17 =	vunpack.i.l.bf16.f32 v17  }
0x158: {  	v21 =	vld.idx.msk [tilespmem:v1+s15+$0x0], $0xffff;
	v39 =	vunpack.i.u.bf16.f32 v19;
	v19 =	vunpack.i.l.bf16.f32 v19;
	v51 =	vunpack.i.u.bf16.f32 v30  }
0x159: {  	v27 =	vld.idx.msk [tilespmem:v6+s25+$0x0], $0xffff;
	v30 =	vunpack.i.l.bf16.f32 v30;
	v15 =	vadd.f32 $0.0e+00, v15;
	v34 =	vadd.f32 $0.0e+00, v34  }
0x15a: {  	v47 =	vld.idx.msk [tilespmem:v1+s24+$0x0], $0xffff;
	v53 =	vunpack.i.u.bf16.f32 v29;
	v17 =	vadd.f32 $0.0e+00, v17;
	v37 =	vadd.f32 $0.0e+00, v37  }
0x15b: {  	v18 =	vld.idx.msk [tilespmem:v0+s23+$0x0], $0xffff;
	v29 =	vunpack.i.l.bf16.f32 v29;
	v19 =	vadd.f32 $0.0e+00, v19;
	v39 =	vadd.f32 $0.0e+00, v39  }
0x15c: {  	v13 =	vadd.f32 v20, v13;
	v16 =	vadd.f32 v60, v16;
	v20 =	vmul.bf16 v24, v23;
	v23 =	vld.idx.msk [tilespmem:v12+s25+$0x0], $0xffff  }
0x15d: {  	v24 =	vmul.bf16 v26, v25;
	v25 =	vld.idx.msk [tilespmem:v11+s24+$0x0], $0xffff;
	v60 =	vmul.bf16 v55, v54;
	v30 =	vadd.f32 v30, v15  }
0x15e: {  	v26 =	vld.idx.msk [tilespmem:v10+s25+$0x0], $0xffff;
	v27 =	vmul.bf16 v27, v33;
	v34 =	vadd.f32 v51, v34;
	v29 =	vadd.f32 v29, v17  }
0x15f: {  	v41 =	vld.idx.msk [tilespmem:v0+s25+$0x0], $0xffff;
	v36 =	vadd.f32 v53, v37;
	v13 =	vadd.f32 v13, v16;
	v16 =	vunpack.i.u.bf16.f32 v20  }
0x160: {  	v43 =	vld.idx.msk [tilespmem:v12+s28+$0x0], $0xffff;
	v20 =	vunpack.i.l.bf16.f32 v20;
	v61 =	vunpack.i.u.bf16.f32 v24;
	v24 =	vunpack.i.l.bf16.f32 v24  }
0x161: {  	v52 =	vld.idx.msk [tilespmem:v5+s26+$0x0], $0xffff;
	v20 =	vadd.f32 $0.0e+00, v20;
	v16 =	vadd.f32 $0.0e+00, v16;
	v18 =	vmul.bf16 v18, v21  }
0x162: {  	v15 =	vld.idx.msk [tilespmem:v9+s28+$0x0], $0xffff;
	v24 =	vadd.f32 $0.0e+00, v24;
	v62 =	vadd.f32 $0.0e+00, v61;
	v23 =	vmul.bf16 v23, v32  }
0x163: {  	v21 =	vld.idx.msk [tilespmem:v2+s25+$0x0], $0xffff;
	v40 =	vunpack.i.u.bf16.f32 v18;
	v18 =	vunpack.i.l.bf16.f32 v18;
	v25 =	vmul.bf16 v26, v25  }
0x164: {  	v58 =	vld.idx.msk [tilespmem:v1+s26+$0x0], $0xffff;
	v32 =	vmul.bf16 v41, v47;
	v18 =	vadd.f32 $0.0e+00, v18;
	v40 =	vadd.f32 $0.0e+00, v40  }
0x165: {  	v26 =	vld.idx.msk [tilespmem:v14+s26+$0x0], $0xffff;
	v42 =	vunpack.i.u.bf16.f32 v23;
	v23 =	vunpack.i.l.bf16.f32 v23;
	v49 =	vunpack.i.u.bf16.f32 v25  }
0x166: {  	v59 =	vld.idx.msk [tilespmem:v11+s29+$0x0], $0xffff;
	v25 =	vunpack.i.l.bf16.f32 v25;
	v23 =	vadd.f32 v23, v35;
	v22 =	vadd.f32 v42, v22  }
0x167: {  	v15 =	vmul.bf16 v15, v52;
	v20 =	vadd.f32 v25, v20;
	v35 =	vadd.f32 v49, v16;
	v16 =	vld.idx.msk [tilespmem:v8+s26+$0x0], $0xffff  }
0x168: {  	v25 =	vunpack.i.l.bf16.f32 v27;
	v27 =	vunpack.i.u.bf16.f32 v27;
	v21 =	vmul.bf16 v21, v38;
	v8 =	vld.idx.msk [tilespmem:v8+s29+$0x0], $0xffff  }
0x169: {  	v11 =	vunpack.i.u.bf16.f32 v15;
	v24 =	vadd.f32 v25, v24;
	v25 =	vld.idx.msk [tilespmem:v6+s28+$0x0], $0xffff;
	v27 =	vadd.f32 v27, v62  }
0x16a: {  	v6 =	vld.idx.msk [tilespmem:v6+s30+$0x0], $0xffff;
	v17 =	vunpack.i.l.bf16.f32 v21;
	v21 =	vunpack.i.u.bf16.f32 v21;
	v26 =	vmul.bf16 v43, v26  }
0x16b: {  	v56 =	vadd.f32 v17, v19;
	v19 =	vld.idx.msk [tilespmem:v3+s26+$0x0], $0xffff;
	v17 =	vunpack.i.u.bf16.f32 v32;
	v32 =	vunpack.i.l.bf16.f32 v32  }
0x16c: {  	v39 =	vadd.f32 v21, v39;
	v21 =	vld.idx.msk [tilespmem:v2+s28+$0x0], $0xffff;
	v32 =	vadd.f32 v32, v18;
	v18 =	vunpack.i.l.bf16.f32 v26  }
0x16d: {  	v12 =	vld.idx.msk [tilespmem:v12+s30+$0x0], $0xffff;
	v57 =	vadd.f32 v17, v40;
	v17 =	vunpack.i.u.bf16.f32 v26;
	v26 =	vadd.f32 v18, v23  }
0x16e: {  	v10 =	vld.idx.msk [tilespmem:v10+s30+$0x0], $0xffff;
	v42 =	vadd.f32 v17, v22;
	v17 =	vunpack.i.u.bf16.f32 v31;
	v16 =	vmul.bf16 v25, v16  }
0x16f: {  	v22 =	vld.idx.msk [tilespmem:v14+s29+$0x0], $0xffff;
	v14 =	vunpack.i.l.bf16.f32 v31;
	v17 =	vadd.f32 v17, v35;
	v63 =	vmul.bf16 v6, v8  }
0x170: {  	v25 =	vld.idx.msk [tilespmem:v0+s28+$0x0], $0xffff;
	v18 =	vunpack.i.u.bf16.f32 v16;
	v23 =	vunpack.i.l.bf16.f32 v16;
	v16 =	vadd.f32 v14, v20  }
0x171: {  	s10 =	simm.s32 $0x18C40;
	v20 =	vunpack.i.l.bf16.f32 v15;
	v21 =	vmul.bf16 v21, v19;
	v19 =	vadd.f32 v11, v34  }
0x172: {  	[tilespmem:s10+$0x30] =	vst v13;
	v8 =	vld.idx.msk [tilespmem:v1+s29+$0x0], $0xffff;
	v1 =	vunpack.i.u.bf16.f32 v63;
	v13 =	vunpack.i.l.bf16.f32 v63;
	v14 =	vadd.f32 v23, v24  }
0x173: {  	v15 =	vadd.f32 v18, v27;
	v23 =	vunpack.i.u.bf16.f32 v60;
	v24 =	vunpack.i.l.bf16.f32 v60;
	v27 =	vld.idx.msk [tilespmem:v5+s29+$0x0], $0xffff  }
0x174: {  	v18 =	vadd.f32 v20, v30;
	v5 =	vld.idx.msk [tilespmem:v7+s29+$0x0], $0xffff;
	v7 =	vmul.bf16 v10, v59;
	v61 =	vunpack.i.l.bf16.f32 v21  }
0x175: {  	v9 =	vld.idx.msk [tilespmem:v9+s30+$0x0], $0xffff;
	v20 =	vadd.f32 v23, v36;
	v23 =	vmul.bf16 v12, v22;
	v25 =	vmul.bf16 v25, v58  }
0x176: {  	v11 =	vunpack.i.u.bf16.f32 v21;
	v21 =	vadd.f32 v24, v29;
	v22 =	vadd.f32 v61, v56  }
0x177: {  	v4 =	vld.idx.msk [tilespmem:v4+s30+$0x0], $0xffff;
	v11 =	vadd.f32 v11, v39;
	v62 =	vunpack.i.l.bf16.f32 v23;
	v24 =	vunpack.i.u.bf16.f32 v25  }
0x178: {  	v3 =	vld.idx.msk [tilespmem:v3+s29+$0x0], $0xffff;
	v12 =	vunpack.i.l.bf16.f32 v25;
	v25 =	vunpack.i.u.bf16.f32 v23;
	v6 =	vadd.f32 v62, v26  }
0x179: {  	v2 =	vld.idx.msk [tilespmem:v2+s30+$0x0], $0xffff;
	v23 =	vunpack.i.u.bf16.f32 v7;
	v12 =	vadd.f32 v12, v32;
	v10 =	vadd.f32 v24, v57  }
0x17a: {  	s20 =	simm.s32 $0x14CC0;
	s19 =	simm.s32 $0x0;
	v24 =	vunpack.i.l.bf16.f32 v7;
	v7 =	vadd.f32 v25, v42;
	v25 =	vmul.bf16 v9, v27;
	v9 =	vld.idx.msk [tilespmem:v0+s30+$0x0], $0xffff  }
.LBB2_7:
0x17b: {  	v26 =	vld [tilespmem:s20+$0x30];
	v16 =	vadd.f32 v24, v16;
	v17 =	vadd.f32 v23, v17;
	s16 =	sadd.s32 $0x80, s16  }
0x17c: {  	s19 =	sadd.s32 $0x8, s19;
	v4 =	vmul.bf16 v4, v5;
	v23 =	vld [tilespmem:s16+$0x30];
	v24 =	vunpack.i.u.bf16.f32 v25;
	v25 =	vunpack.i.l.bf16.f32 v25  }
0x17d: {  	v13 =	vadd.f32 v13, v14;
	v14 =	vadd.f32 v1, v15;
	p0 =	slt.u32 s19, $0xF0;
	v0 =	vld [tilespmem:s16+$0xFFFFFFC0]  }
0x17e: {  	v15 =	vunpack.i.u.bf16.f32 v4;
	v27 =	vunpack.i.l.bf16.f32 v4;
	v3 =	vmul.bf16 v2, v3;
	v1 =	vld [tilespmem:s20+$0xFFFFFFD0]  }
0x17f: {  	v18 =	vadd.f32 v25, v18;
	v19 =	vadd.f32 v24, v19;
	v4 =	vld [tilespmem:s16+$0xFFFFFFD0]  }
0x180: {  	v24 =	vunpack.i.u.bf16.f32 v3;
	v25 =	vunpack.i.l.bf16.f32 v3;
	v8 =	vmul.bf16 v9, v8;
	v2 =	vld [tilespmem:s20+$0xFFFFFFE0]  }
0x181: {  	v15 =	vadd.f32 v15, v20;
	v9 =	vadd.f32 v27, v21;
	v5 =	vld [tilespmem:s16+$0xFFFFFFE0]  }
0x182: {  	v20 =	vadd.f32 v25, v22;
	v21 =	vunpack.i.u.bf16.f32 v8;
	v8 =	vunpack.i.l.bf16.f32 v8;
	v3 =	vld [tilespmem:s20+$0xFFFFFFF0]  }
0x183: {  	v11 =	vadd.f32 v24, v11;
	v8 =	vadd.f32 v8, v12;
	v22 =	vld.idx.msk [tilespmem:v26+s15+$0x0], $0xffff  }
0x184: {  	v6 =	vadd.f32 v6, v7;
	v7 =	vadd.f32 v21, v10;
	v12 =	vld.idx.msk [tilespmem:v23+s23+$0x0], $0xffff  }
0x185: {  	v13 =	vadd.f32 v13, v14;
	v10 =	vadd.f32 v16, v17;
	v21 =	vld.idx.msk [tilespmem:v26+s24+$0x0], $0xffff  }
0x186: {  	v9 =	vadd.f32 v9, v15;
	v14 =	vld.idx.msk [tilespmem:v23+s25+$0x0], $0xffff;
	[tilespmem:s10+$0xFFFFFFC0] =	vst v6;
	v6 =	vadd.f32 v18, v19  }
0x187: {  	v7 =	vadd.f32 v8, v7;
	v15 =	vld.idx.msk [tilespmem:v26+s26+$0x0], $0xffff;
	[tilespmem:s10+$0xFFFFFFD0] =	vst v10;
	v10 =	vadd.f32 v20, v11  }
0x188: {  	v8 =	vld.idx.msk [tilespmem:v23+s28+$0x0], $0xffff;
	[tilespmem:s10+$0xFFFFFFE0] =	vst v13  }
0x189: {  	v13 =	vld.idx.msk [tilespmem:v26+s29+$0x0], $0xffff;
	[tilespmem:s10+$0xFFFFFFF0] =	vst v6  }
0x18a: {  	v6 =	vmul.bf16 v12, v22;
	v16 =	vld.idx.msk [tilespmem:v23+s30+$0x0], $0xffff;
	[tilespmem:s10+$0x0] =	vst v9  }
0x18b: {  	v11 =	vld [tilespmem:s16+$0xFFFFFFF0];
	[tilespmem:s10+$0x10] =	vst v10  }
0x18c: {  	v9 =	vunpack.i.u.bf16.f32 v6;
	v6 =	vunpack.i.l.bf16.f32 v6;
	v14 =	vmul.bf16 v14, v21;
	v10 =	vld [tilespmem:s20+$0x0];
	[tilespmem:s10+$0x20] =	vst v7  }
0x18d: {  	v17 =	vadd.f32 $0.0e+00, v6;
	v9 =	vadd.f32 $0.0e+00, v9;
	v12 =	vld [tilespmem:s16+$0x0]  }
0x18e: {  	v18 =	vunpack.i.u.bf16.f32 v14;
	v14 =	vunpack.i.l.bf16.f32 v14;
	v15 =	vmul.bf16 v8, v15;
	v6 =	vld [tilespmem:s20+$0x10]  }
0x18f: {  	v14 =	vadd.f32 v14, v17;
	v17 =	vadd.f32 v18, v9;
	v7 =	vld [tilespmem:s16+$0x10]  }
0x190: {  	v18 =	vunpack.i.u.bf16.f32 v15;
	v15 =	vunpack.i.l.bf16.f32 v15;
	v16 =	vmul.bf16 v16, v13;
	v8 =	vld [tilespmem:s20+$0x20]  }
0x191: {  	v14 =	vadd.f32 v15, v14;
	v15 =	vadd.f32 v18, v17;
	v9 =	vld [tilespmem:s16+$0x20]  }
0x192: {  	v17 =	vunpack.i.u.bf16.f32 v16;
	v16 =	vunpack.i.l.bf16.f32 v16;
	v13 =	vld [tilespmem:s20+$0xFFFFFFC0]  }
0x193: {  	v14 =	vadd.f32 v16, v14;
	v15 =	vadd.f32 v17, v15;
	v18 =	vld.idx.msk [tilespmem:v0+s23+$0x0], $0xffff  }
0x194: {  	v16 =	vld.idx.msk [tilespmem:v1+s15+$0x0], $0xffff  }
0x195: {  	v14 =	vadd.f32 v14, v15;
	v17 =	vld.idx.msk [tilespmem:v4+s23+$0x0], $0xffff  }
0x196: {  	s10 =	sadd.s32 $0x80, s10;
	v15 =	vld.idx.msk [tilespmem:v2+s15+$0x0], $0xffff  }
0x197: {  	v19 =	vld.idx.msk [tilespmem:v5+s23+$0x0], $0xffff;
	[tilespmem:s10+$0x30] =	vst v14  }
0x198: {  	v14 =	vld.idx.msk [tilespmem:v3+s15+$0x0], $0xffff  }
0x199: {  	v20 =	vld.idx.msk [tilespmem:v11+s23+$0x0], $0xffff  }
0x19a: {  	v21 =	vld.idx.msk [tilespmem:v13+s15+$0x0], $0xffff  }
0x19b: {  	v16 =	vmul.bf16 v17, v16;
	v17 =	vld.idx.msk [tilespmem:v10+s15+$0x0], $0xffff  }
0x19c: {  	v22 =	vld.idx.msk [tilespmem:v12+s23+$0x0], $0xffff  }
0x19d: {  	v23 =	vunpack.i.u.bf16.f32 v16;
	v16 =	vunpack.i.l.bf16.f32 v16;
	v15 =	vmul.bf16 v19, v15;
	v19 =	vld.idx.msk [tilespmem:v6+s15+$0x0], $0xffff  }
0x19e: {  	v16 =	vadd.f32 $0.0e+00, v16;
	v23 =	vadd.f32 $0.0e+00, v23;
	v24 =	vld.idx.msk [tilespmem:v7+s23+$0x0], $0xffff  }
0x19f: {  	v25 =	vunpack.i.u.bf16.f32 v15;
	v15 =	vunpack.i.l.bf16.f32 v15;
	v14 =	vmul.bf16 v20, v14;
	v20 =	vld.idx.msk [tilespmem:v8+s15+$0x0], $0xffff  }
0x1a0: {  	v18 =	vmul.bf16 v18, v21;
	v15 =	vadd.f32 $0.0e+00, v15;
	v21 =	vadd.f32 $0.0e+00, v25;
	v25 =	vld.idx.msk [tilespmem:v9+s23+$0x0], $0xffff  }
0x1a1: {  	v27 =	vunpack.i.u.bf16.f32 v14;
	v14 =	vunpack.i.l.bf16.f32 v14;
	v26 =	vld.idx.msk [tilespmem:v13+s24+$0x0], $0xffff  }
0x1a2: {  	v28 =	vunpack.i.u.bf16.f32 v18;
	v18 =	vunpack.i.l.bf16.f32 v18;
	v17 =	vmul.bf16 v22, v17;
	v29 =	vld.idx.msk [tilespmem:v0+s25+$0x0], $0xffff  }
0x1a3: {  	v18 =	vadd.f32 $0.0e+00, v18;
	v22 =	vadd.f32 $0.0e+00, v28;
	v28 =	vld.idx.msk [tilespmem:v1+s24+$0x0], $0xffff  }
0x1a4: {  	v31 =	vunpack.i.u.bf16.f32 v17;
	v17 =	vunpack.i.l.bf16.f32 v17;
	v19 =	vmul.bf16 v24, v19;
	v30 =	vld.idx.msk [tilespmem:v4+s25+$0x0], $0xffff  }
0x1a5: {  	v14 =	vadd.f32 $0.0e+00, v14;
	v27 =	vadd.f32 $0.0e+00, v27;
	v24 =	vld.idx.msk [tilespmem:v2+s24+$0x0], $0xffff  }
0x1a6: {  	v33 =	vunpack.i.u.bf16.f32 v19;
	v19 =	vunpack.i.l.bf16.f32 v19;
	v20 =	vmul.bf16 v25, v20;
	v32 =	vld.idx.msk [tilespmem:v5+s25+$0x0], $0xffff  }
0x1a7: {  	v17 =	vadd.f32 $0.0e+00, v17;
	v31 =	vadd.f32 $0.0e+00, v31;
	v25 =	vld.idx.msk [tilespmem:v3+s24+$0x0], $0xffff  }
0x1a8: {  	v26 =	vmul.bf16 v29, v26;
	v34 =	vunpack.i.u.bf16.f32 v20;
	v20 =	vunpack.i.l.bf16.f32 v20;
	v29 =	vld.idx.msk [tilespmem:v11+s25+$0x0], $0xffff  }
0x1a9: {  	v19 =	vadd.f32 $0.0e+00, v19;
	v33 =	vadd.f32 $0.0e+00, v33;
	v35 =	vld.idx.msk [tilespmem:v10+s24+$0x0], $0xffff  }
0x1aa: {  	v20 =	vadd.f32 $0.0e+00, v20;
	v34 =	vadd.f32 $0.0e+00, v34;
	v28 =	vmul.bf16 v30, v28;
	v30 =	vld.idx.msk [tilespmem:v12+s25+$0x0], $0xffff  }
0x1ab: {  	v36 =	vunpack.i.u.bf16.f32 v26;
	v26 =	vunpack.i.l.bf16.f32 v26;
	v37 =	vld.idx.msk [tilespmem:v6+s24+$0x0], $0xffff  }
0x1ac: {  	v38 =	vunpack.i.u.bf16.f32 v28;
	v28 =	vunpack.i.l.bf16.f32 v28;
	v24 =	vmul.bf16 v32, v24;
	v32 =	vld.idx.msk [tilespmem:v7+s25+$0x0], $0xffff  }
0x1ad: {  	v18 =	vadd.f32 v26, v18;
	v22 =	vadd.f32 v36, v22;
	v26 =	vld.idx.msk [tilespmem:v8+s24+$0x0], $0xffff  }
0x1ae: {  	v36 =	vunpack.i.u.bf16.f32 v24;
	v24 =	vunpack.i.l.bf16.f32 v24;
	v25 =	vmul.bf16 v29, v25;
	v29 =	vld.idx.msk [tilespmem:v9+s25+$0x0], $0xffff  }
0x1af: {  	v16 =	vadd.f32 v28, v16;
	v23 =	vadd.f32 v38, v23;
	v39 =	vld.idx.msk [tilespmem:v13+s26+$0x0], $0xffff  }
0x1b0: {  	v38 =	vunpack.i.u.bf16.f32 v25;
	v25 =	vunpack.i.l.bf16.f32 v25;
	v30 =	vmul.bf16 v30, v35;
	v28 =	vld.idx.msk [tilespmem:v0+s28+$0x0], $0xffff  }
0x1b1: {  	v15 =	vadd.f32 v24, v15;
	v21 =	vadd.f32 v36, v21;
	v35 =	vld.idx.msk [tilespmem:v1+s26+$0x0], $0xffff  }
0x1b2: {  	v36 =	vunpack.i.u.bf16.f32 v30;
	v30 =	vunpack.i.l.bf16.f32 v30;
	v32 =	vmul.bf16 v32, v37;
	v24 =	vld.idx.msk [tilespmem:v4+s28+$0x0], $0xffff  }
0x1b3: {  	v25 =	vadd.f32 v25, v14;
	v27 =	vadd.f32 v38, v27;
	v37 =	vld.idx.msk [tilespmem:v2+s26+$0x0], $0xffff  }
0x1b4: {  	v38 =	vunpack.i.u.bf16.f32 v32;
	v32 =	vunpack.i.l.bf16.f32 v32;
	v26 =	vmul.bf16 v29, v26;
	v14 =	vld.idx.msk [tilespmem:v5+s28+$0x0], $0xffff  }
0x1b5: {  	v30 =	vadd.f32 v30, v17;
	v31 =	vadd.f32 v36, v31;
	v29 =	vld.idx.msk [tilespmem:v3+s26+$0x0], $0xffff  }
0x1b6: {  	v17 =	vmul.bf16 v28, v39;
	v36 =	vunpack.i.u.bf16.f32 v26;
	v26 =	vunpack.i.l.bf16.f32 v26;
	v28 =	vld.idx.msk [tilespmem:v11+s28+$0x0], $0xffff  }
0x1b7: {  	v32 =	vadd.f32 v32, v19;
	v33 =	vadd.f32 v38, v33;
	v39 =	vld.idx.msk [tilespmem:v10+s26+$0x0], $0xffff  }
0x1b8: {  	v26 =	vadd.f32 v26, v20;
	v34 =	vadd.f32 v36, v34;
	v19 =	vmul.bf16 v24, v35;
	v24 =	vld.idx.msk [tilespmem:v12+s28+$0x0], $0xffff  }
0x1b9: {  	v20 =	vunpack.i.u.bf16.f32 v17;
	v17 =	vunpack.i.l.bf16.f32 v17;
	v35 =	vld.idx.msk [tilespmem:v6+s26+$0x0], $0xffff  }
0x1ba: {  	v36 =	vunpack.i.u.bf16.f32 v19;
	v19 =	vunpack.i.l.bf16.f32 v19;
	v14 =	vmul.bf16 v14, v37;
	v37 =	vld.idx.msk [tilespmem:v7+s28+$0x0], $0xffff  }
0x1bb: {  	v38 =	vadd.f32 v17, v18;
	v40 =	vadd.f32 v20, v22;
	v20 =	vld.idx.msk [tilespmem:v8+s26+$0x0], $0xffff  }
0x1bc: {  	v18 =	vunpack.i.u.bf16.f32 v14;
	v14 =	vunpack.i.l.bf16.f32 v14;
	v22 =	vmul.bf16 v28, v29;
	v28 =	vld.idx.msk [tilespmem:v9+s28+$0x0], $0xffff  }
0x1bd: {  	v16 =	vadd.f32 v19, v16;
	v17 =	vadd.f32 v36, v23;
	v13 =	vld.idx.msk [tilespmem:v13+s29+$0x0], $0xffff  }
0x1be: {  	v19 =	vunpack.i.u.bf16.f32 v22;
	v22 =	vunpack.i.l.bf16.f32 v22;
	v23 =	vmul.bf16 v24, v39;
	v0 =	vld.idx.msk [tilespmem:v0+s30+$0x0], $0xffff  }
0x1bf: {  	v14 =	vadd.f32 v14, v15;
	v15 =	vadd.f32 v18, v21;
	v1 =	vld.idx.msk [tilespmem:v1+s29+$0x0], $0xffff  }
0x1c0: {  	v24 =	vunpack.i.u.bf16.f32 v23;
	v21 =	vunpack.i.l.bf16.f32 v23;
	v23 =	vmul.bf16 v37, v35;
	v4 =	vld.idx.msk [tilespmem:v4+s30+$0x0], $0xffff  }
0x1c1: {  	v18 =	vadd.f32 v22, v25;
	v19 =	vadd.f32 v19, v27;
	v2 =	vld.idx.msk [tilespmem:v2+s29+$0x0], $0xffff  }
0x1c2: {  	v27 =	vunpack.i.u.bf16.f32 v23;
	v22 =	vunpack.i.l.bf16.f32 v23;
	v25 =	vld.idx.msk [tilespmem:v5+s30+$0x0], $0xffff;
	v5 =	vmul.bf16 v28, v20  }
0x1c3: {  	v21 =	vadd.f32 v21, v30;
	v20 =	vadd.f32 v24, v31;
	v28 =	vld.idx.msk [tilespmem:v3+s29+$0x0], $0xffff  }
0x1c4: {  	v0 =	vmul.bf16 v0, v13;
	v29 =	vld.idx.msk [tilespmem:v11+s30+$0x0], $0xffff;
	v3 =	vunpack.i.u.bf16.f32 v5;
	v13 =	vunpack.i.l.bf16.f32 v5  }
0x1c5: {  	v22 =	vadd.f32 v22, v32;
	v11 =	vadd.f32 v27, v33;
	v5 =	vld.idx.msk [tilespmem:v10+s29+$0x0], $0xffff  }
.Ltmp2:
0x1c6: {  	v1 =	vmul.bf16 v4, v1;
	v10 =	vadd.f32 v3, v34;
	v4 =	vld.idx.msk [tilespmem:v12+s30+$0x0], $0xffff;
	v12 =	vadd.f32 v13, v26;
	(pc) =	sbr.rel @p0 .LBB2_7-.Ltmp2, $4  }
0x1c7: {  	v13 =	vunpack.i.u.bf16.f32 v0;
	v0 =	vunpack.i.l.bf16.f32 v0;
	v3 =	vld.idx.msk [tilespmem:v6+s29+$0x0], $0xffff  }
0x1c8: {  	v23 =	vunpack.i.u.bf16.f32 v1;
	v24 =	vunpack.i.l.bf16.f32 v1;
	v25 =	vmul.bf16 v25, v2;
	v2 =	vld.idx.msk [tilespmem:v7+s30+$0x0], $0xffff  }
0x1c9: {  	v6 =	vadd.f32 v0, v38;
	v7 =	vadd.f32 v13, v40;
	v8 =	vld.idx.msk [tilespmem:v8+s29+$0x0], $0xffff  }
0x1ca: {  	s20 =	sadd.s32 $0x80, s20;
	v1 =	vunpack.i.u.bf16.f32 v25;
	v13 =	vunpack.i.l.bf16.f32 v25;
	v25 =	vmul.bf16 v29, v28;
	v9 =	vld.idx.msk [tilespmem:v9+s30+$0x0], $0xffff  }
0x1cb: {  	v0 =	vadd.f32 v24, v16  }
0x1cc: {  	v50 =	vadd.f32 v23, v17;
	v53 =	vadd.f32 v13, v14  }
0x1cd: {  	v4 =	vmul.bf16 v4, v5;
	v1 =	vadd.f32 v1, v15;
	v6 =	vadd.f32 v6, v7  }
0x1ce: {  	v51 =	vunpack.i.u.bf16.f32 v25;
	v52 =	vunpack.i.l.bf16.f32 v25;
	v2 =	vmul.bf16 v2, v3  }
0x1cf: {  	v54 =	vunpack.i.u.bf16.f32 v4;
	v55 =	vadd.f32 v52, v18;
	v56 =	vadd.f32 v51, v19  }
0x1d0: {  	v4 =	vunpack.i.l.bf16.f32 v4;
	v0 =	vadd.f32 v0, v50;
	v1 =	vadd.f32 v53, v1  }
0x1d1: {  	v4 =	vadd.f32 v4, v21;
	v3 =	vadd.f32 v54, v20;
	v57 =	vunpack.i.l.bf16.f32 v2  }
0x1d2: {  	v8 =	vmul.bf16 v9, v8;
	v2 =	vunpack.i.u.bf16.f32 v2;
	v61 =	vadd.f32 v55, v56  }
0x1d3: {  	[tilespmem:s10+$0xFFFFFFC0] =	vst v6;
	v58 =	vadd.f32 v57, v22;
	v2 =	vadd.f32 v2, v11  }
0x1d4: {  	[tilespmem:s10+$0xFFFFFFD0] =	vst v0;
	v3 =	vadd.f32 v4, v3;
	v9 =	vunpack.i.l.bf16.f32 v8;
	v59 =	vunpack.i.u.bf16.f32 v8  }
0x1d5: {  	[tilespmem:s10+$0xFFFFFFE0] =	vst v1;
	v60 =	vadd.f32 v9, v12;
	v62 =	vadd.f32 v59, v10  }
0x1d6: {  	[tilespmem:s10+$0xFFFFFFF0] =	vst v61;
	v63 =	vadd.f32 v58, v2  }
0x1d7: {  	[tilespmem:s10+$0x0] =	vst v3;
	v0 =	vadd.f32 v60, v62  }
0x1d8: {  	[tilespmem:s10+$0x10] =	vst v63  }
0x1d9: {  	[tilespmem:s10+$0x20] =	vst v0  }
.LBB2_9:
0x1da: {  	s10 =	sshra.s32 s15, $0x2  }
0x1db: {  	v0 =	vld [tilespmem:s10+$0x15B80]  }
0x1dc: {  	v1 =	vld [tilespmem:s10+$0x17B80];
	_ =	sdelay $0x6  }
0x1dd: {  	v2 =	vld.idx.msk [tilespmem:v0+s4+$0x0], $0xffff  }
0x1de: {  	v3 =	vld.idx.msk [tilespmem:v1+s23+$0x0], $0xffff  }
0x1df: {  	v4 =	vld.idx.msk [tilespmem:v0+s24+$0x0], $0xffff  }
0x1e0: {  	v5 =	vld.idx.msk [tilespmem:v1+s25+$0x0], $0xffff  }
0x1e1: {  	v6 =	vld.idx.msk [tilespmem:v0+s26+$0x0], $0xffff  }
0x1e2: {  	v7 =	vld.idx.msk [tilespmem:v1+s28+$0x0], $0xffff  }
0x1e3: {  	v0 =	vld.idx.msk [tilespmem:v0+s29+$0x0], $0xffff;
	v2 =	vmul.bf16 v3, v2  }
0x1e4: {  	v1 =	vld.idx.msk [tilespmem:v1+s30+$0x0], $0xffff  }
0x1e5: {  	v54 =	vmul.bf16 v5, v4;
	v55 =	vunpack.i.u.bf16.f32 v2;
	v2 =	vunpack.i.l.bf16.f32 v2  }
0x1e6: {  	v2 =	vadd.f32 $0.0e+00, v2;
	v4 =	vadd.f32 $0.0e+00, v55  }
0x1e7: {  	v56 =	vmul.bf16 v7, v6;
	v57 =	vunpack.i.u.bf16.f32 v54;
	v3 =	vunpack.i.l.bf16.f32 v54  }
0x1e8: {  	v2 =	vadd.f32 v3, v2;
	v58 =	vadd.f32 v57, v4  }
0x1e9: {  	v0 =	vmul.bf16 v1, v0;
	v59 =	vunpack.i.u.bf16.f32 v56;
	v5 =	vunpack.i.l.bf16.f32 v56  }
0x1ea: {  	v60 =	vadd.f32 v5, v2;
	v61 =	vadd.f32 v59, v58  }
0x1eb: {  	p0 =	sne.s32 s15, $0x40;
	v62 =	vunpack.i.u.bf16.f32 v0;
	v0 =	vunpack.i.l.bf16.f32 v0  }
.Ltmp3:
0x1ec: {  	v0 =	vadd.f32 v0, v60;
	v63 =	vadd.f32 v62, v61;
	(pc) =	sbr.rel @p0 .LBB2_9-.Ltmp3, $3  }
0x1ed: {  	_ = 	snop  }
0x1ee: {  	v0 =	vadd.f32 v0, v63;
	_ =	sdelay $0x1  }
0x1ef: {  	s15 =	sadd.s32 $0x40, s15;
	[tilespmem:s10+$0x19B80] =	vst v0  }
0x1f0: {  	s13 =	sadd.s32 $0x1, s13  }
0x1f1: {  	p0 =	sne.s32 s13, $0x14  }
.Ltmp4:
0x1f2: {  	_ = 	snop;
	(pc) =	sbr.rel @p0 .LBB2_2-.Ltmp4, $4  }
0x1f3: {  	s10 =	sadd.s32 s17, s14  }
0x1f4: {  	s10 =	sshrl.u32 s10, $0x3  }
0x1f5: {  	s10 =	sadd.s32 s5, s10  }
0x1f6: {  	[hbm4b:s10+s4] =	stream.linear.scatter [tilespmem:s9], [sflag:$0x4], $0xFA0, $0x38;
	[tilespmem:$0x19C00] =	vst v63  }
0x1f7: {  	s10 =	simm.s32 $0x3  }
0x1f8: {  	_ =	swait.ge [sflag:s10], $0xFA0  }
0x1f9: {  	[sflag:s10] =	ssyncset.done $0x0  }
0x1fa: {  	[sflag:s10] =	ssyncadd.s32 $0xFFFFF060  }
0x1fb: {  	_ =	swait.ge [sflag:s11], $0xFA0  }
0x1fc: {  	s12 =	sadd.s32 $0x1, s12;
	s21 =	rddreg [dreg:$0xd]  }
0x1fd: {  	p0 =	sne.s32 s12, s21  }
.Ltmp5:
0x1fe: {  	_ = 	snop;
	(pc) =	sbr.rel @p0 .LBB2_1-.Ltmp5, $3  }
0x1ff: {  	_ =	sdelay $0x1  }
0x200: {  	[sflag:s11] =	ssyncset.done $0x0  }
0x201: {  	[sflag:s11] =	ssyncadd.s32 $0xFFFFF060  }
0x202: {  	_ =	sfence.sel $0x180000  }
0x203: {  	[bflag:$0x0] =	sbarrier.arrive $0xFFFF  }
0x204: {  	_ =	strace $0x90000047  }
0x205: {  	s0 =	stileid.u32;
	[bflag:$0x2] =	sbarrier.arrive $0xFFFF  }
0x206: {  	p0 =	sne.s32 s0, $0x0;
	s0 =	rddreg [dreg:$0x2]  }
0x207: {  	s0 =	sadd.s32 @!p0 $0x100000, s0  }
0x208: {  	[sflag:s0] =	ssyncadd.tile.s32 @!p0 $0x1;
	_ =	shalt  }
.Lfunc_end2:
_tile_overlayer_lowered:
.L_overlay_start_2:
0x209: {  	(tag) =	ssettag $0x2  }
0x20a: {  	s0 =	rddreg [dreg:$0x0];
	s2 =	stileid.u32  }
0x20b: {  	s1 =	rddreg [dreg:$0x1];
	p0 =	sne.s32 s2, $0x0  }
0x20c: {  	s3 =	rddreg [dreg:$0x2];
	[bflag:$0x3] =	sbarrier.arrive $0xFFFF;
	s2 =	simm.s32 @!p0 $0x1C05  }
0x20d: {  	[timem:s3], [sflag:s2] =	dma.local @!p0 [hbm:s0], s1  }
0x20e: {  	s0 =	simm.s32 @!p0 $0x5  }
0x20f: {  	_ =	swait.ge @!p0 [sflag:s0], s1  }
0x210: {  	s1 =	ssub.s32 @!p0 $0x0, s1;
	[sflag:s0] =	ssyncset.done @!p0 $0x0  }
0x211: {  	[sflag:s0] =	ssyncadd.s32 @!p0 s1  }
0x212: {  	[bflag:$0x3] =	sbarrier.arrive $0xFFFF  }
0x213: {  	_ =	shalt  }

</sc_bundles>
